<compile_context>
chip_gen: v7x
topology: tpu7x:2x2x1
jax: 0.10.2.dev20260603
libtpu: 0.0.44.dev20260713+nightly
codegen_flags: <defaults>
</compile_context>

<pallas_src>
import functools

import jax
import jax.numpy as jnp
from jax import lax
from jax.experimental import pallas as pl
from jax.experimental.pallas import tpu as pltpu
from jax.experimental.pallas import tpu_sc as plsc

N = 10000
E = 320000
NSLICE = 1
ES = E // NSLICE
DX = 48
DH = 128
NC, NS = 2, 16
NW = NC * NS
EPW = ES // NW
CH = 400
NCHUNK = EPW // CH
SCH = 80
NSCH = EPW // SCH
CC = 2000
NP = 10240
STRIPE = NP // NS
_F32 = jnp.float32
_PREC = lax.Precision.DEFAULT


def _mesh():
    return plsc.VectorSubcoreMesh(core_axis_name="c", subcore_axis_name="s")


_SC_PARAMS = dict(
    mesh=_mesh(),
    compiler_params=pltpu.CompilerParams(needs_layout_passes=False),
)



def _count_body(col_hbm, cnt_hbm, colv, cnt_v):
    wid = lax.axis_index("s") * NC + lax.axis_index("c")
    base = wid * (E // NW)
    zeros16 = jnp.zeros((16,), _F32)
    ones16 = jnp.ones((16,), _F32)

    def zbody(i, carry):
        cnt_v[pl.ds(i * 16, 16)] = zeros16
        return carry

    lax.fori_loop(0, N // 16, zbody, 0)

    def body(k, carry):
        pltpu.sync_copy(col_hbm.at[pl.ds(base + k * CC, CC)], colv)

        def cbody(j, c):
            cvec = colv[pl.ds(j * 16, 16)]
            plsc.addupdate_scatter(cnt_v, [cvec], ones16)
            return c

        lax.fori_loop(0, CC // 16, cbody, 0)
        return carry

    lax.fori_loop(0, (E // NW) // CC, body, 0)
    pltpu.sync_copy(cnt_v, cnt_hbm.at[pl.ds(wid * N, N)])


@functools.cache
def _count_kernel():
    return pl.kernel(
        _count_body,
        out_type=jax.ShapeDtypeStruct((NW * N,), _F32),
        scratch_types=[
            pltpu.VMEM((CC,), jnp.int32),
            pltpu.VMEM((N,), _F32),
        ],
        **_SC_PARAMS,
    )



def _gather_body(sbase, xw_hbm, row_hbm, out_hbm,
                 idx0, idx1, rows0, rows1, sem_i0, sem_i1, sem_g0, sem_g1):
    wid = lax.axis_index("s") * NC + lax.axis_index("c")
    base = sbase + wid * EPW
    obase = wid * EPW
    sem_i = (sem_i0, sem_i1)
    sem_g = (sem_g0, sem_g1)
    idx_v = (idx0, idx1)
    rows_v = (rows0, rows1)

    def load(k, b):
        pltpu.async_copy(row_hbm.at[pl.ds(base + k * CH, CH)], idx_v[b], sem_i[b])

    def wait_load(k, b):
        pltpu.make_async_copy(row_hbm.at[pl.ds(base + k * CH, CH)], idx_v[b],
                              sem_i[b]).wait()

    load(0, 0)

    def step(k, b):
        wait_load(k, b)
        pltpu.async_copy(xw_hbm.at[idx_v[b]], rows_v[b], sem_g[b])

        @pl.when(k >= 1)
        def _():
            po = obase + (k - 1) * CH
            pltpu.make_async_copy(xw_hbm.at[idx_v[1 - b]], rows_v[1 - b],
                                  sem_g[1 - b]).wait()
            pltpu.sync_copy(rows_v[1 - b], out_hbm.at[pl.ds(po, CH)])

        @pl.when(k + 1 <= NCHUNK - 1)
        def _():
            load(k + 1, 1 - b)

    def pair(g, carry):
        step(2 * g, 0)
        step(2 * g + 1, 1)
        return carry

    lax.fori_loop(0, NCHUNK // 2, pair, 0)
    k_last = NCHUNK - 1
    wait_load(k_last, 0)
    pltpu.async_copy(xw_hbm.at[idx_v[0]], rows_v[0], sem_g[0])
    pltpu.make_async_copy(xw_hbm.at[idx_v[1]], rows_v[1], sem_g[1]).wait()
    pltpu.sync_copy(rows_v[1], out_hbm.at[pl.ds(obase + (k_last - 1) * CH, CH)])
    pltpu.make_async_copy(xw_hbm.at[idx_v[0]], rows_v[0], sem_g[0]).wait()
    pltpu.sync_copy(rows_v[0], out_hbm.at[pl.ds(obase + k_last * CH, CH)])


@functools.cache
def _gather_kernel(s):
    return pl.kernel(
        functools.partial(_gather_body, s * ES),
        out_type=jax.ShapeDtypeStruct((ES, DH), _F32),
        scratch_types=[
            pltpu.VMEM((CH,), jnp.int32),
            pltpu.VMEM((CH,), jnp.int32),
            pltpu.VMEM((CH, DH), _F32),
            pltpu.VMEM((CH, DH), _F32),
            pltpu.SemaphoreType.DMA,
            pltpu.SemaphoreType.DMA,
            pltpu.SemaphoreType.DMA,
            pltpu.SemaphoreType.DMA,
        ],
        **_SC_PARAMS,
    )



def _scatter_body(sbase, y_hbm, col_hbm, z128_hbm, out_s, tab_s, sidx0, sidx1,
                  ybuf0, ybuf1, sem_d0, sem_d1, sem_a0, sem_a1):
    cid = lax.axis_index("c")
    sid = lax.axis_index("s")
    wid = sid * NC + cid
    srow = sid * STRIPE
    sem_d = (sem_d0, sem_d1)
    sem_a = (sem_a0, sem_a1)
    idx_v = (sidx0, sidx1)
    ybuf = (ybuf0, ybuf1)
    pltpu.sync_copy(z128_hbm.at[pl.ds(srow, STRIPE)], tab_s.at[pl.ds(srow, STRIPE)])
    plsc.subcore_barrier()
    base = wid * EPW
    cbase = sbase + wid * EPW

    def load(k, b):
        pltpu.async_copy(col_hbm.at[pl.ds(cbase + k * SCH, SCH)], idx_v[b], sem_d[b])
        pltpu.async_copy(y_hbm.at[pl.ds(base + k * SCH, SCH)], ybuf[b], sem_d[b])

    def wait_load(k, b):
        pltpu.make_async_copy(col_hbm.at[pl.ds(cbase + k * SCH, SCH)], idx_v[b],
                              sem_d[b]).wait()
        pltpu.make_async_copy(y_hbm.at[pl.ds(base + k * SCH, SCH)], ybuf[b],
                              sem_d[b]).wait()

    def wait_add(b):
        pltpu.make_async_copy(ybuf[b], tab_s.at[idx_v[b]], sem_a[b]).wait()

    load(0, 0)
    load(1, 1)

    def step(k, b):
        wait_load(k, b)
        pltpu.async_copy(ybuf[b], tab_s.at[idx_v[b]], sem_a[b], add=True)

        @pl.when(jnp.logical_and(k >= 1, k + 1 <= NSCH - 1))
        def _():
            wait_add(1 - b)
            load(k + 1, 1 - b)

    def pair(g, carry):
        step(2 * g, 0)
        step(2 * g + 1, 1)
        return carry

    lax.fori_loop(0, NSCH // 2, pair, 0)
    wait_load(NSCH - 1, 0)
    pltpu.async_copy(ybuf[0], tab_s.at[idx_v[0]], sem_a[0], add=True)
    wait_add(1)
    wait_add(0)
    plsc.subcore_barrier()
    pltpu.sync_copy(tab_s.at[pl.ds(srow, STRIPE)],
                    out_s.at[pl.ds(cid * NP + srow, STRIPE)])


@functools.cache
def _scatter_kernel(s):
    return pl.kernel(
        functools.partial(_scatter_body, s * ES),
        out_type=jax.ShapeDtypeStruct((NC * NP, DH), _F32),
        scratch_types=[
            pltpu.VMEM_SHARED((NP, DH), _F32),
            pltpu.VMEM((SCH,), jnp.int32),
            pltpu.VMEM((SCH,), jnp.int32),
            pltpu.VMEM((SCH, DH), _F32),
            pltpu.VMEM((SCH, DH), _F32),
            pltpu.SemaphoreType.DMA,
            pltpu.SemaphoreType.DMA,
            pltpu.SemaphoreType.DMA,
            pltpu.SemaphoreType.DMA,
        ],
        **_SC_PARAMS,
    )



BE = 3200


def _xw_body(x_ref, a_ref, bias_ref, o_ref):
    o_ref[...] = (jnp.dot(x_ref[...], a_ref[...], preferred_element_type=_F32,
                          precision=_PREC) + bias_ref[...])


def _mlp1_body(xwg_ref, ea_ref, b_ref, t_ref, stat_ref):
    t = jnp.dot(ea_ref[...], b_ref[...], preferred_element_type=_F32,
                precision=_PREC)
    t = t + xwg_ref[...]
    t_ref[...] = t
    srow = jnp.sum(t, axis=0, keepdims=True)
    sqrow = jnp.sum(t * t, axis=0, keepdims=True)
    upd = jnp.concatenate([srow, sqrow, jnp.zeros((6, DH), _F32)], axis=0)

    @pl.when(pl.program_id(0) == 0)
    def _():
        stat_ref[...] = jnp.zeros_like(stat_ref)

    stat_ref[...] += upd


def _mlp1b_body(t_ref, stat_ref, g_ref, be_ref, w_ref, bias_ref, y_ref):
    stat = stat_ref[...]
    mean = stat[0:1, :] * (1.0 / E)
    var = stat[1:2, :] * (1.0 / E) - mean * mean
    scale = g_ref[...] * lax.rsqrt(var + 1e-5)
    shift = be_ref[...] - mean * scale
    tn = jnp.maximum(t_ref[...] * scale + shift, 0.0)
    y_ref[...] = (jnp.dot(tn, w_ref[...], preferred_element_type=_F32,
                          precision=_PREC) + bias_ref[...])


def _node_body(sa_ref, cp_ref, rones_ref, x_ref, a_ref, b_ref, b2a_ref,
               g_ref, be_ref, w_ref, b2b_ref, out_ref):
    ssum = sa_ref[0:N, :] + sa_ref[NP:NP + N, :]
    cnt = lax.dot_general(cp_ref[...], rones_ref[...], (((0,), (0,)), ((), ())),
                          preferred_element_type=_F32,
                          precision=lax.Precision.HIGHEST)
    agg = jnp.where(cnt > 0.0, ssum / jnp.maximum(cnt, 1.0), 0.0)
    h = (jnp.dot(x_ref[...], a_ref[...], preferred_element_type=_F32,
                 precision=_PREC)
         + jnp.dot(agg, b_ref[...], preferred_element_type=_F32, precision=_PREC)
         + b2a_ref[...])
    mean = jnp.mean(h, axis=0, keepdims=True)
    var = jnp.mean((h - mean) ** 2, axis=0, keepdims=True)
    hn = jnp.maximum((h - mean) * lax.rsqrt(var + 1e-5) * g_ref[...] + be_ref[...],
                     0.0)
    out_ref[...] = (jnp.dot(hn, w_ref[...], preferred_element_type=_F32,
                            precision=_PREC) + b2b_ref[...])


def _xw(x, a1, bias):
    return pl.pallas_call(
        _xw_body,
        out_shape=jax.ShapeDtypeStruct((N, DH), _F32),
    )(x, a1, bias)


def _mlp1(xwg, ea, b1):
    return pl.pallas_call(
        _mlp1_body,
        grid=(ES // BE,),
        in_specs=[
            pl.BlockSpec((BE, DH), lambda i: (i, 0)),
            pl.BlockSpec((BE, DH), lambda i: (i, 0)),
            pl.BlockSpec((DH, DH), lambda i: (0, 0)),
        ],
        out_specs=[
            pl.BlockSpec((BE, DH), lambda i: (i, 0)),
            pl.BlockSpec((8, DH), lambda i: (0, 0)),
        ],
        out_shape=[
            jax.ShapeDtypeStruct((ES, DH), _F32),
            jax.ShapeDtypeStruct((8, DH), _F32),
        ],
    )(xwg, ea, b1)


def _mlp1b(t, stats, g, be, w, bias):
    return pl.pallas_call(
        _mlp1b_body,
        grid=(ES // BE,),
        in_specs=[
            pl.BlockSpec((BE, DH), lambda i: (i, 0)),
            pl.BlockSpec((8, DH), lambda i: (0, 0)),
            pl.BlockSpec((1, DH), lambda i: (0, 0)),
            pl.BlockSpec((1, DH), lambda i: (0, 0)),
            pl.BlockSpec((DH, DH), lambda i: (0, 0)),
            pl.BlockSpec((1, DH), lambda i: (0, 0)),
        ],
        out_specs=pl.BlockSpec((BE, DH), lambda i: (i, 0)),
        out_shape=jax.ShapeDtypeStruct((ES, DH), _F32),
    )(t, stats, g, be, w, bias)


def _node_mlp(sa, cp, rones, x, a2, b2, b2a, g2, be2, w2b, b2b):
    return pl.pallas_call(
        _node_body,
        out_shape=jax.ShapeDtypeStruct((N, DH), _F32),
    )(sa, cp, rones, x, a2, b2, b2a, g2, be2, w2b, b2b)


def kernel(x, edge_index, edge_attr, u, batch, W1a, b1a, g1, be1, W1b, b1b,
           W2a, b2a, g2, be2, W2b, b2b):
    row = edge_index[0]
    col = edge_index[1]
    cntp = _count_kernel()(col)
    xw = _xw(x, W1a[:DX], b1a.reshape(1, DH))
    xwg = _gather_kernel(0)(xw, row)
    t, stats = _mlp1(xwg, edge_attr, W1a[DX:])
    y = _mlp1b(t, stats, g1.reshape(1, DH), be1.reshape(1, DH), W1b,
               b1b.reshape(1, DH))
    z128 = jnp.zeros((NP, DH), _F32)
    sp = _scatter_kernel(0)(y, col, z128)
    return _node_mlp(sp, cntp.reshape(NW, N), jnp.ones((NW, 1), _F32),
                     x, W2a[:DX], W2a[DX:], b2a.reshape(1, DH),
                     g2.reshape(1, DH), be2.reshape(1, DH), W2b,
                     b2b.reshape(1, DH))

# --- scband reference (transcript-rebuilt; emitter-appended) ---
"""Pipeline reference for scband-node-block-37787122270586 (READ-ONLY COPY).

The authoritative reference and input builder live on the scoring server;
editing this copy changes nothing except your own understanding.
"""

import jax, jax.numpy as jnp
import numpy as np

N_NODES = 10000
N_EDGES = 320000


def batchnorm(x, gamma, beta, eps=1e-5):
    mean = jnp.mean(x, axis=0, keepdims=True)
    var = jnp.var(x, axis=0, keepdims=True)
    return (x - mean) / jnp.sqrt(var + eps) * gamma + beta


def setup_inputs(seed: int = 0) -> dict:
    key = jax.random.key(seed)
    ks = jax.random.split(key, 20)
    x = jax.random.normal(ks[0], (N_NODES, 48), dtype=jnp.float32)
    edge_index = jax.random.randint(ks[1], (2, N_EDGES), 0, N_NODES, dtype=jnp.int32)
    edge_attr = jax.random.normal(ks[2], (N_EDGES, 128), dtype=jnp.float32)
    u = jax.random.normal(ks[3], (1, 128), dtype=jnp.float32)
    batch = jnp.zeros((N_NODES,), dtype=jnp.int32)
    s = 0.05
    params = {
        'W1a': jax.random.normal(ks[4], (176, 128), dtype=jnp.float32) * s,
        'b1a': jnp.zeros((128,), dtype=jnp.float32),
        'g1': jnp.ones((128,), dtype=jnp.float32),
        'be1': jnp.zeros((128,), dtype=jnp.float32),
        'W1b': jax.random.normal(ks[5], (128, 128), dtype=jnp.float32) * s,
        'b1b': jnp.zeros((128,), dtype=jnp.float32),
        'W2a': jax.random.normal(ks[6], (176, 128), dtype=jnp.float32) * s,
        'b2a': jnp.zeros((128,), dtype=jnp.float32),
        'g2': jnp.ones((128,), dtype=jnp.float32),
        'be2': jnp.zeros((128,), dtype=jnp.float32),
        'W2b': jax.random.normal(ks[7], (128, 128), dtype=jnp.float32) * s,
        'b2b': jnp.zeros((128,), dtype=jnp.float32),
    }
    inp = {'x': x, 'edge_index': edge_index, 'edge_attr': edge_attr, 'u': u, 'batch': batch}
    inp.update(params)
    return inp


def reference(x, edge_index, edge_attr, u, batch, W1a, b1a, g1, be1, W1b, b1b, W2a, b2a, g2, be2, W2b, b2b):
    row = edge_index[0]
    col = edge_index[1]
    n = x.shape[0]
    # node_mlp_1 over per-edge features
    out = jnp.concatenate([x[row], edge_attr], axis=1)
    out = out @ W1a + b1a
    out = batchnorm(out, g1, be1)
    out = jax.nn.relu(out)
    out = out @ W1b + b1b
    # scatter_mean over destination nodes (dim_size = n)
    ssum = jax.ops.segment_sum(out, col, num_segments=n)
    cnt = jax.ops.segment_sum(jnp.ones((out.shape[0], 1), dtype=out.dtype), col, num_segments=n)
    agg = jnp.where(cnt > 0, ssum / jnp.maximum(cnt, 1.0), 0.0)
    # node_mlp_2
    h = jnp.concatenate([x, agg], axis=1)
    h = h @ W2a + b2a
    h = batchnorm(h, g2, be2)
    h = jax.nn.relu(h)
    h = h @ W2b + b2b
    return h

if __name__ == "__main__":
    import jax
    _d = setup_inputs()
    print(jax.jit(kernel)(*tuple(_d.values())))

</pallas_src>

<mosaic_0001>
#map = affine_map<(d0, d1) -> (0, 0)>
#map1 = affine_map<(d0, d1) -> (0)>
module attributes {stable_mosaic.version = 14 : i64} {
  func.func @_scatter_body(%arg0: i32, %arg1: i32, %arg2: memref<320000x128xf32, #tpu.memory_space<hbm>>, %arg3: memref<320000xi32, #tpu.memory_space<hbm>>, %arg4: memref<10240x128xf32, #tpu.memory_space<hbm>>, %arg5: memref<20480x128xf32, #tpu.memory_space<hbm>>, %arg6: memref<10240x128xf32, #tpu.memory_space<vmem_shared>>, %arg7: memref<80xi32, #tpu.memory_space<vmem>>, %arg8: memref<80xi32, #tpu.memory_space<vmem>>, %arg9: memref<80x128xf32, #tpu.memory_space<vmem>>, %arg10: memref<80x128xf32, #tpu.memory_space<vmem>>, %arg11: memref<!tpu.dma_semaphore, #tpu.memory_space<semaphore_mem>>, %arg12: memref<!tpu.dma_semaphore, #tpu.memory_space<semaphore_mem>>, %arg13: memref<!tpu.dma_semaphore, #tpu.memory_space<semaphore_mem>>, %arg14: memref<!tpu.dma_semaphore, #tpu.memory_space<semaphore_mem>>) attributes {dimension_semantics = [#tpu.dimension_semantics<core_parallel>, #tpu.dimension_semantics<subcore_parallel>], iteration_bounds = array<i64: 2, 16>, scalar_prefetch = 0 : i64, scratch_operands = 9 : i64, tpu.core_type = #tpu.core_type<sc_vector_subcore>, window_params = [{transform_indices = #map}, {transform_indices = #map1}, {transform_indices = #map}, {transform_indices = #map}]} {
    %mul3A = arith.constant 2 : i32
    %mul3A_0 = arith.muli %arg1, %mul3A : i32
    %add3A = arith.addi %mul3A_0, %arg0 : i32
    %mul3A_1 = arith.constant 640 : i32
    %mul3A_2 = arith.muli %arg1, %mul3A_1 : i32
    "tpu.region"() ({
      %run_scoped3A = tpu.sem_alloc : memref<!tpu.dma_semaphore, #tpu.memory_space<semaphore_mem>>
      %dma_start3A_55 = arith.constant 0 : i32
      %dma_start3A_56 = tpu.memref_slice %arg6[%mul3A_2, %dma_start3A_55] : memref<10240x128xf32, #tpu.memory_space<vmem_shared>> -> memref<640x128xf32, #tpu.memory_space<vmem_shared>>
      %dma_start3A_57 = arith.constant 0 : i32
      %dma_start3A_58 = tpu.memref_slice %arg4[%mul3A_2, %dma_start3A_57] : memref<10240x128xf32, #tpu.memory_space<hbm>> -> memref<640x128xf32, #tpu.memory_space<hbm>>
      tpu.enqueue_dma source(%dma_start3A_58 : memref<640x128xf32, #tpu.memory_space<hbm>>) target(%dma_start3A_56 : memref<640x128xf32, #tpu.memory_space<vmem_shared>>) target_semaphore(%run_scoped3A : memref<!tpu.dma_semaphore, #tpu.memory_space<semaphore_mem>>)
      %dma_wait3A_59 = arith.constant 0 : i32
      %dma_wait3A_60 = tpu.memref_slice %arg6[%mul3A_2, %dma_wait3A_59] : memref<10240x128xf32, #tpu.memory_space<vmem_shared>> -> memref<640x128xf32, #tpu.memory_space<vmem_shared>>
      %dma_wait3A_61 = arith.constant 0 : i32
      %dma_wait3A_62 = tpu.memref_slice %arg4[%mul3A_2, %dma_wait3A_61] : memref<10240x128xf32, #tpu.memory_space<hbm>> -> memref<640x128xf32, #tpu.memory_space<hbm>>
      tpu.wait_dma2 semaphore(%run_scoped3A : memref<!tpu.dma_semaphore, #tpu.memory_space<semaphore_mem>>) src(%dma_wait3A_62 : memref<640x128xf32, #tpu.memory_space<hbm>>) dst(%dma_wait3A_60 : memref<640x128xf32, #tpu.memory_space<vmem_shared>>)
      tpu.yield
    }) : () -> ()
    %barrier3A = arith.constant 0 : index
    tpu.barrier barrier_id(%barrier3A)
    %mul3A_3 = arith.constant 10000 : i32
    %mul3A_4 = arith.muli %add3A, %mul3A_3 : i32
    %mul3A_5 = arith.constant 10000 : i32
    %mul3A_6 = arith.muli %add3A, %mul3A_5 : i32
    %add3A_7 = arith.constant 0 : i32
    %add3A_8 = arith.addi %add3A_7, %mul3A_6 : i32
    %add3A_9 = arith.constant 0 : i32
    %add3A_10 = arith.addi %add3A_8, %add3A_9 : i32
    %dma_start3A = tpu.memref_slice %arg3[%add3A_10] : memref<320000xi32, #tpu.memory_space<hbm>> -> memref<80xi32, #tpu.memory_space<hbm>>
    %dma_start3A_11 = tpu.memref_slice %arg3[%add3A_10] : memref<320000xi32, #tpu.memory_space<hbm>> -> memref<80xi32, #tpu.memory_space<hbm>>
    tpu.enqueue_dma source(%dma_start3A_11 : memref<80xi32, #tpu.memory_space<hbm>>) target(%arg7 : memref<80xi32, #tpu.memory_space<vmem>>) target_semaphore(%arg11 : memref<!tpu.dma_semaphore, #tpu.memory_space<semaphore_mem>>)
    %add3A_12 = arith.constant 0 : i32
    %add3A_13 = arith.addi %mul3A_4, %add3A_12 : i32
    %dma_start3A_14 = arith.constant 0 : i32
    %dma_start3A_15 = tpu.memref_slice %arg2[%add3A_13, %dma_start3A_14] : memref<320000x128xf32, #tpu.memory_space<hbm>> -> memref<80x128xf32, #tpu.memory_space<hbm>>
    %dma_start3A_16 = arith.constant 0 : i32
    %dma_start3A_17 = tpu.memref_slice %arg2[%add3A_13, %dma_start3A_16] : memref<320000x128xf32, #tpu.memory_space<hbm>> -> memref<80x128xf32, #tpu.memory_space<hbm>>
    tpu.enqueue_dma source(%dma_start3A_17 : memref<80x128xf32, #tpu.memory_space<hbm>>) target(%arg9 : memref<80x128xf32, #tpu.memory_space<vmem>>) target_semaphore(%arg11 : memref<!tpu.dma_semaphore, #tpu.memory_space<semaphore_mem>>)
    %add3A_18 = arith.constant 80 : i32
    %add3A_19 = arith.addi %add3A_8, %add3A_18 : i32
    %dma_start3A_20 = tpu.memref_slice %arg3[%add3A_19] : memref<320000xi32, #tpu.memory_space<hbm>> -> memref<80xi32, #tpu.memory_space<hbm>>
    %dma_start3A_21 = tpu.memref_slice %arg3[%add3A_19] : memref<320000xi32, #tpu.memory_space<hbm>> -> memref<80xi32, #tpu.memory_space<hbm>>
    tpu.enqueue_dma source(%dma_start3A_21 : memref<80xi32, #tpu.memory_space<hbm>>) target(%arg8 : memref<80xi32, #tpu.memory_space<vmem>>) target_semaphore(%arg12 : memref<!tpu.dma_semaphore, #tpu.memory_space<semaphore_mem>>)
    %add3A_22 = arith.constant 80 : i32
    %add3A_23 = arith.addi %mul3A_4, %add3A_22 : i32
    %dma_start3A_24 = arith.constant 0 : i32
    %dma_start3A_25 = tpu.memref_slice %arg2[%add3A_23, %dma_start3A_24] : memref<320000x128xf32, #tpu.memory_space<hbm>> -> memref<80x128xf32, #tpu.memory_space<hbm>>
    %dma_start3A_26 = arith.constant 0 : i32
    %dma_start3A_27 = tpu.memref_slice %arg2[%add3A_23, %dma_start3A_26] : memref<320000x128xf32, #tpu.memory_space<hbm>> -> memref<80x128xf32, #tpu.memory_space<hbm>>
    tpu.enqueue_dma source(%dma_start3A_27 : memref<80x128xf32, #tpu.memory_space<hbm>>) target(%arg10 : memref<80x128xf32, #tpu.memory_space<vmem>>) target_semaphore(%arg12 : memref<!tpu.dma_semaphore, #tpu.memory_space<semaphore_mem>>)
    %scan3A = arith.constant 0 : i32
    %scan3A_28 = arith.constant 0 : i32
    %scan3A_29 = arith.constant 62 : i32
    %scan3A_30 = arith.addi %scan3A_28, %scan3A_29 : i32
    %scan3A_31 = arith.constant 1 : i32
    scf.for %scan3A_55 = %scan3A_28 to %scan3A_30 step %scan3A_31  : i32 {
      %mul3A_56 = arith.constant 2 : i32
      %mul3A_57 = arith.muli %mul3A_56, %scan3A_55 : i32
      %mul3A_58 = arith.constant 80 : i32
      %mul3A_59 = arith.muli %mul3A_57, %mul3A_58 : i32
      %add3A_60 = arith.addi %add3A_8, %mul3A_59 : i32
      %dma_wait3A_61 = tpu.memref_slice %arg3[%add3A_60] : memref<320000xi32, #tpu.memory_space<hbm>> -> memref<80xi32, #tpu.memory_space<hbm>>
      %dma_wait3A_62 = tpu.memref_slice %arg3[%add3A_60] : memref<320000xi32, #tpu.memory_space<hbm>> -> memref<80xi32, #tpu.memory_space<hbm>>
      tpu.wait_dma2 semaphore(%arg11 : memref<!tpu.dma_semaphore, #tpu.memory_space<semaphore_mem>>) src(%dma_wait3A_62 : memref<80xi32, #tpu.memory_space<hbm>>) dst(%arg7 : memref<80xi32, #tpu.memory_space<vmem>>)
      %mul3A_63 = arith.constant 80 : i32
      %mul3A_64 = arith.muli %mul3A_57, %mul3A_63 : i32
      %add3A_65 = arith.addi %mul3A_4, %mul3A_64 : i32
      %dma_wait3A_66 = arith.constant 0 : i32
      %dma_wait3A_67 = tpu.memref_slice %arg2[%add3A_65, %dma_wait3A_66] : memref<320000x128xf32, #tpu.memory_space<hbm>> -> memref<80x128xf32, #tpu.memory_space<hbm>>
      %dma_wait3A_68 = arith.constant 0 : i32
      %dma_wait3A_69 = tpu.memref_slice %arg2[%add3A_65, %dma_wait3A_68] : memref<320000x128xf32, #tpu.memory_space<hbm>> -> memref<80x128xf32, #tpu.memory_space<hbm>>
      tpu.wait_dma2 semaphore(%arg11 : memref<!tpu.dma_semaphore, #tpu.memory_space<semaphore_mem>>) src(%dma_wait3A_69 : memref<80x128xf32, #tpu.memory_space<hbm>>) dst(%arg9 : memref<80x128xf32, #tpu.memory_space<vmem>>)
      %dma_start3A_70 = arith.constant 0 : i32
      %dma_start3A_71 = arith.constant 0 : i32
      %dma_start3A_72 = tpu.memref_slice %arg6[%dma_start3A_70, %dma_start3A_71] : memref<10240x128xf32, #tpu.memory_space<vmem_shared>> -> memref<10240x128xf32, #tpu.memory_space<vmem_shared>>
      tpu.enqueue_indirect_dma source(%arg9 : memref<80x128xf32, #tpu.memory_space<vmem>>) target(%dma_start3A_72 : memref<10240x128xf32, #tpu.memory_space<vmem_shared>>) offsets(%arg7 : memref<80xi32, #tpu.memory_space<vmem>>) semaphore(%arg13 : memref<!tpu.dma_semaphore, #tpu.memory_space<semaphore_mem>>) {add = true}
      %ge3A = arith.constant 1 : i32
      %ge3A_73 = arith.cmpi sge, %mul3A_57, %ge3A : i32
      %add3A_74 = arith.constant 1 : i32
      %add3A_75 = arith.addi %mul3A_57, %add3A_74 : i32
      %le3A = arith.constant 124 : i32
      %le3A_76 = arith.cmpi sle, %add3A_75, %le3A : i32
      %and3A = arith.andi %ge3A_73, %le3A_76 : i1
      %convert_element_type3A = arith.extui %and3A : i1 to i32
      %cond3A = arith.constant 0 : i32
      %cond3A_77 = arith.cmpi ne, %convert_element_type3A, %cond3A : i32
      scf.if %cond3A_77 {
        %dma_wait3A_107 = arith.constant 0 : i32
        %dma_wait3A_108 = arith.constant 0 : i32
        %dma_wait3A_109 = tpu.memref_slice %arg6[%dma_wait3A_107, %dma_wait3A_108] : memref<10240x128xf32, #tpu.memory_space<vmem_shared>> -> memref<10240x128xf32, #tpu.memory_space<vmem_shared>>
        tpu.wait_indirect_dma semaphore(%arg14 : memref<!tpu.dma_semaphore, #tpu.memory_space<semaphore_mem>>) src(%arg10 : memref<80x128xf32, #tpu.memory_space<vmem>>) dst(%dma_wait3A_109 : memref<10240x128xf32, #tpu.memory_space<vmem_shared>>)
        %add3A_110 = arith.constant 1 : i32
        %add3A_111 = arith.addi %mul3A_57, %add3A_110 : i32
        %mul3A_112 = arith.constant 80 : i32
        %mul3A_113 = arith.muli %add3A_111, %mul3A_112 : i32
        %add3A_114 = arith.addi %add3A_8, %mul3A_113 : i32
        %dma_start3A_115 = tpu.memref_slice %arg3[%add3A_114] : memref<320000xi32, #tpu.memory_space<hbm>> -> memref<80xi32, #tpu.memory_space<hbm>>
        %dma_start3A_116 = tpu.memref_slice %arg3[%add3A_114] : memref<320000xi32, #tpu.memory_space<hbm>> -> memref<80xi32, #tpu.memory_space<hbm>>
        tpu.enqueue_dma source(%dma_start3A_116 : memref<80xi32, #tpu.memory_space<hbm>>) target(%arg8 : memref<80xi32, #tpu.memory_space<vmem>>) target_semaphore(%arg12 : memref<!tpu.dma_semaphore, #tpu.memory_space<semaphore_mem>>)
        %mul3A_117 = arith.constant 80 : i32
        %mul3A_118 = arith.muli %add3A_111, %mul3A_117 : i32
        %add3A_119 = arith.addi %mul3A_4, %mul3A_118 : i32
        %dma_start3A_120 = arith.constant 0 : i32
        %dma_start3A_121 = tpu.memref_slice %arg2[%add3A_119, %dma_start3A_120] : memref<320000x128xf32, #tpu.memory_space<hbm>> -> memref<80x128xf32, #tpu.memory_space<hbm>>
        %dma_start3A_122 = arith.constant 0 : i32
        %dma_start3A_123 = tpu.memref_slice %arg2[%add3A_119, %dma_start3A_122] : memref<320000x128xf32, #tpu.memory_space<hbm>> -> memref<80x128xf32, #tpu.memory_space<hbm>>
        tpu.enqueue_dma source(%dma_start3A_123 : memref<80x128xf32, #tpu.memory_space<hbm>>) target(%arg10 : memref<80x128xf32, #tpu.memory_space<vmem>>) target_semaphore(%arg12 : memref<!tpu.dma_semaphore, #tpu.memory_space<semaphore_mem>>)
      } else {
      }
      %mul3A_78 = arith.constant 2 : i32
      %mul3A_79 = arith.muli %mul3A_78, %scan3A_55 : i32
      %add3A_80 = arith.constant 1 : i32
      %add3A_81 = arith.addi %mul3A_79, %add3A_80 : i32
      %mul3A_82 = arith.constant 80 : i32
      %mul3A_83 = arith.muli %add3A_81, %mul3A_82 : i32
      %add3A_84 = arith.addi %add3A_8, %mul3A_83 : i32
      %dma_wait3A_85 = tpu.memref_slice %arg3[%add3A_84] : memref<320000xi32, #tpu.memory_space<hbm>> -> memref<80xi32, #tpu.memory_space<hbm>>
      %dma_wait3A_86 = tpu.memref_slice %arg3[%add3A_84] : memref<320000xi32, #tpu.memory_space<hbm>> -> memref<80xi32, #tpu.memory_space<hbm>>
      tpu.wait_dma2 semaphore(%arg12 : memref<!tpu.dma_semaphore, #tpu.memory_space<semaphore_mem>>) src(%dma_wait3A_86 : memref<80xi32, #tpu.memory_space<hbm>>) dst(%arg8 : memref<80xi32, #tpu.memory_space<vmem>>)
      %mul3A_87 = arith.constant 80 : i32
      %mul3A_88 = arith.muli %add3A_81, %mul3A_87 : i32
      %add3A_89 = arith.addi %mul3A_4, %mul3A_88 : i32
      %dma_wait3A_90 = arith.constant 0 : i32
      %dma_wait3A_91 = tpu.memref_slice %arg2[%add3A_89, %dma_wait3A_90] : memref<320000x128xf32, #tpu.memory_space<hbm>> -> memref<80x128xf32, #tpu.memory_space<hbm>>
      %dma_wait3A_92 = arith.constant 0 : i32
      %dma_wait3A_93 = tpu.memref_slice %arg2[%add3A_89, %dma_wait3A_92] : memref<320000x128xf32, #tpu.memory_space<hbm>> -> memref<80x128xf32, #tpu.memory_space<hbm>>
      tpu.wait_dma2 semaphore(%arg12 : memref<!tpu.dma_semaphore, #tpu.memory_space<semaphore_mem>>) src(%dma_wait3A_93 : memref<80x128xf32, #tpu.memory_space<hbm>>) dst(%arg10 : memref<80x128xf32, #tpu.memory_space<vmem>>)
      %dma_start3A_94 = arith.constant 0 : i32
      %dma_start3A_95 = arith.constant 0 : i32
      %dma_start3A_96 = tpu.memref_slice %arg6[%dma_start3A_94, %dma_start3A_95] : memref<10240x128xf32, #tpu.memory_space<vmem_shared>> -> memref<10240x128xf32, #tpu.memory_space<vmem_shared>>
      tpu.enqueue_indirect_dma source(%arg10 : memref<80x128xf32, #tpu.memory_space<vmem>>) target(%dma_start3A_96 : memref<10240x128xf32, #tpu.memory_space<vmem_shared>>) offsets(%arg8 : memref<80xi32, #tpu.memory_space<vmem>>) semaphore(%arg14 : memref<!tpu.dma_semaphore, #tpu.memory_space<semaphore_mem>>) {add = true}
      %ge3A_97 = arith.constant 1 : i32
      %ge3A_98 = arith.cmpi sge, %add3A_81, %ge3A_97 : i32
      %add3A_99 = arith.constant 1 : i32
      %add3A_100 = arith.addi %add3A_81, %add3A_99 : i32
      %le3A_101 = arith.constant 124 : i32
      %le3A_102 = arith.cmpi sle, %add3A_100, %le3A_101 : i32
      %and3A_103 = arith.andi %ge3A_98, %le3A_102 : i1
      %convert_element_type3A_104 = arith.extui %and3A_103 : i1 to i32
      %cond3A_105 = arith.constant 0 : i32
      %cond3A_106 = arith.cmpi ne, %convert_element_type3A_104, %cond3A_105 : i32
      scf.if %cond3A_106 {
        %dma_wait3A_107 = arith.constant 0 : i32
        %dma_wait3A_108 = arith.constant 0 : i32
        %dma_wait3A_109 = tpu.memref_slice %arg6[%dma_wait3A_107, %dma_wait3A_108] : memref<10240x128xf32, #tpu.memory_space<vmem_shared>> -> memref<10240x128xf32, #tpu.memory_space<vmem_shared>>
        tpu.wait_indirect_dma semaphore(%arg13 : memref<!tpu.dma_semaphore, #tpu.memory_space<semaphore_mem>>) src(%arg9 : memref<80x128xf32, #tpu.memory_space<vmem>>) dst(%dma_wait3A_109 : memref<10240x128xf32, #tpu.memory_space<vmem_shared>>)
        %add3A_110 = arith.constant 1 : i32
        %add3A_111 = arith.addi %add3A_81, %add3A_110 : i32
        %mul3A_112 = arith.constant 80 : i32
        %mul3A_113 = arith.muli %add3A_111, %mul3A_112 : i32
        %add3A_114 = arith.addi %add3A_8, %mul3A_113 : i32
        %dma_start3A_115 = tpu.memref_slice %arg3[%add3A_114] : memref<320000xi32, #tpu.memory_space<hbm>> -> memref<80xi32, #tpu.memory_space<hbm>>
        %dma_start3A_116 = tpu.memref_slice %arg3[%add3A_114] : memref<320000xi32, #tpu.memory_space<hbm>> -> memref<80xi32, #tpu.memory_space<hbm>>
        tpu.enqueue_dma source(%dma_start3A_116 : memref<80xi32, #tpu.memory_space<hbm>>) target(%arg7 : memref<80xi32, #tpu.memory_space<vmem>>) target_semaphore(%arg11 : memref<!tpu.dma_semaphore, #tpu.memory_space<semaphore_mem>>)
        %mul3A_117 = arith.constant 80 : i32
        %mul3A_118 = arith.muli %add3A_111, %mul3A_117 : i32
        %add3A_119 = arith.addi %mul3A_4, %mul3A_118 : i32
        %dma_start3A_120 = arith.constant 0 : i32
        %dma_start3A_121 = tpu.memref_slice %arg2[%add3A_119, %dma_start3A_120] : memref<320000x128xf32, #tpu.memory_space<hbm>> -> memref<80x128xf32, #tpu.memory_space<hbm>>
        %dma_start3A_122 = arith.constant 0 : i32
        %dma_start3A_123 = tpu.memref_slice %arg2[%add3A_119, %dma_start3A_122] : memref<320000x128xf32, #tpu.memory_space<hbm>> -> memref<80x128xf32, #tpu.memory_space<hbm>>
        tpu.enqueue_dma source(%dma_start3A_123 : memref<80x128xf32, #tpu.memory_space<hbm>>) target(%arg9 : memref<80x128xf32, #tpu.memory_space<vmem>>) target_semaphore(%arg11 : memref<!tpu.dma_semaphore, #tpu.memory_space<semaphore_mem>>)
      } else {
      }
    }
    %scan3A_32 = arith.constant 62 : i32
    %add3A_33 = arith.constant 9920 : i32
    %add3A_34 = arith.addi %add3A_8, %add3A_33 : i32
    %dma_wait3A = tpu.memref_slice %arg3[%add3A_34] : memref<320000xi32, #tpu.memory_space<hbm>> -> memref<80xi32, #tpu.memory_space<hbm>>
    %dma_wait3A_35 = tpu.memref_slice %arg3[%add3A_34] : memref<320000xi32, #tpu.memory_space<hbm>> -> memref<80xi32, #tpu.memory_space<hbm>>
    tpu.wait_dma2 semaphore(%arg11 : memref<!tpu.dma_semaphore, #tpu.memory_space<semaphore_mem>>) src(%dma_wait3A_35 : memref<80xi32, #tpu.memory_space<hbm>>) dst(%arg7 : memref<80xi32, #tpu.memory_space<vmem>>)
    %add3A_36 = arith.constant 9920 : i32
    %add3A_37 = arith.addi %mul3A_4, %add3A_36 : i32
    %dma_wait3A_38 = arith.constant 0 : i32
    %dma_wait3A_39 = tpu.memref_slice %arg2[%add3A_37, %dma_wait3A_38] : memref<320000x128xf32, #tpu.memory_space<hbm>> -> memref<80x128xf32, #tpu.memory_space<hbm>>
    %dma_wait3A_40 = arith.constant 0 : i32
    %dma_wait3A_41 = tpu.memref_slice %arg2[%add3A_37, %dma_wait3A_40] : memref<320000x128xf32, #tpu.memory_space<hbm>> -> memref<80x128xf32, #tpu.memory_space<hbm>>
    tpu.wait_dma2 semaphore(%arg11 : memref<!tpu.dma_semaphore, #tpu.memory_space<semaphore_mem>>) src(%dma_wait3A_41 : memref<80x128xf32, #tpu.memory_space<hbm>>) dst(%arg9 : memref<80x128xf32, #tpu.memory_space<vmem>>)
    %dma_start3A_42 = arith.constant 0 : i32
    %dma_start3A_43 = arith.constant 0 : i32
    %dma_start3A_44 = tpu.memref_slice %arg6[%dma_start3A_42, %dma_start3A_43] : memref<10240x128xf32, #tpu.memory_space<vmem_shared>> -> memref<10240x128xf32, #tpu.memory_space<vmem_shared>>
    tpu.enqueue_indirect_dma source(%arg9 : memref<80x128xf32, #tpu.memory_space<vmem>>) target(%dma_start3A_44 : memref<10240x128xf32, #tpu.memory_space<vmem_shared>>) offsets(%arg7 : memref<80xi32, #tpu.memory_space<vmem>>) semaphore(%arg13 : memref<!tpu.dma_semaphore, #tpu.memory_space<semaphore_mem>>) {add = true}
    %dma_wait3A_45 = arith.constant 0 : i32
    %dma_wait3A_46 = arith.constant 0 : i32
    %dma_wait3A_47 = tpu.memref_slice %arg6[%dma_wait3A_45, %dma_wait3A_46] : memref<10240x128xf32, #tpu.memory_space<vmem_shared>> -> memref<10240x128xf32, #tpu.memory_space<vmem_shared>>
    tpu.wait_indirect_dma semaphore(%arg14 : memref<!tpu.dma_semaphore, #tpu.memory_space<semaphore_mem>>) src(%arg10 : memref<80x128xf32, #tpu.memory_space<vmem>>) dst(%dma_wait3A_47 : memref<10240x128xf32, #tpu.memory_space<vmem_shared>>)
    %dma_wait3A_48 = arith.constant 0 : i32
    %dma_wait3A_49 = arith.constant 0 : i32
    %dma_wait3A_50 = tpu.memref_slice %arg6[%dma_wait3A_48, %dma_wait3A_49] : memref<10240x128xf32, #tpu.memory_space<vmem_shared>> -> memref<10240x128xf32, #tpu.memory_space<vmem_shared>>
    tpu.wait_indirect_dma semaphore(%arg13 : memref<!tpu.dma_semaphore, #tpu.memory_space<semaphore_mem>>) src(%arg9 : memref<80x128xf32, #tpu.memory_space<vmem>>) dst(%dma_wait3A_50 : memref<10240x128xf32, #tpu.memory_space<vmem_shared>>)
    %barrier3A_51 = arith.constant 0 : index
    tpu.barrier barrier_id(%barrier3A_51)
    %mul3A_52 = arith.constant 10240 : i32
    %mul3A_53 = arith.muli %arg0, %mul3A_52 : i32
    %add3A_54 = arith.addi %mul3A_53, %mul3A_2 : i32
    "tpu.region"() ({
      %run_scoped3A = tpu.sem_alloc : memref<!tpu.dma_semaphore, #tpu.memory_space<semaphore_mem>>
      %dma_start3A_55 = arith.constant 0 : i32
      %dma_start3A_56 = tpu.memref_slice %arg5[%add3A_54, %dma_start3A_55] : memref<20480x128xf32, #tpu.memory_space<hbm>> -> memref<640x128xf32, #tpu.memory_space<hbm>>
      %dma_start3A_57 = arith.constant 0 : i32
      %dma_start3A_58 = tpu.memref_slice %arg6[%mul3A_2, %dma_start3A_57] : memref<10240x128xf32, #tpu.memory_space<vmem_shared>> -> memref<640x128xf32, #tpu.memory_space<vmem_shared>>
      tpu.enqueue_dma source(%dma_start3A_58 : memref<640x128xf32, #tpu.memory_space<vmem_shared>>) target(%dma_start3A_56 : memref<640x128xf32, #tpu.memory_space<hbm>>) target_semaphore(%run_scoped3A : memref<!tpu.dma_semaphore, #tpu.memory_space<semaphore_mem>>)
      %dma_wait3A_59 = arith.constant 0 : i32
      %dma_wait3A_60 = tpu.memref_slice %arg5[%add3A_54, %dma_wait3A_59] : memref<20480x128xf32, #tpu.memory_space<hbm>> -> memref<640x128xf32, #tpu.memory_space<hbm>>
      %dma_wait3A_61 = arith.constant 0 : i32
      %dma_wait3A_62 = tpu.memref_slice %arg6[%mul3A_2, %dma_wait3A_61] : memref<10240x128xf32, #tpu.memory_space<vmem_shared>> -> memref<640x128xf32, #tpu.memory_space<vmem_shared>>
      tpu.wait_dma2 semaphore(%run_scoped3A : memref<!tpu.dma_semaphore, #tpu.memory_space<semaphore_mem>>) src(%dma_wait3A_62 : memref<640x128xf32, #tpu.memory_space<vmem_shared>>) dst(%dma_wait3A_60 : memref<640x128xf32, #tpu.memory_space<hbm>>)
      tpu.yield
    }) : () -> ()
    return
  }
}

#map = affine_map<(d0, d1) -> (0)>
module attributes {stable_mosaic.version = 14 : i64} {
  func.func @_count_body(%arg0: i32, %arg1: i32, %arg2: memref<320000xi32, #tpu.memory_space<hbm>>, %arg3: memref<320000xf32, #tpu.memory_space<hbm>>, %arg4: memref<2000xi32, #tpu.memory_space<vmem>>, %arg5: memref<10000xf32, #tpu.memory_space<vmem>>) attributes {dimension_semantics = [#tpu.dimension_semantics<core_parallel>, #tpu.dimension_semantics<subcore_parallel>], iteration_bounds = array<i64: 2, 16>, scalar_prefetch = 0 : i64, scratch_operands = 2 : i64, tpu.core_type = #tpu.core_type<sc_vector_subcore>, window_params = [{transform_indices = #map}, {transform_indices = #map}]} {
    %mul3A = arith.constant 2 : i32
    %mul3A_0 = arith.muli %arg1, %mul3A : i32
    %add3A = arith.addi %mul3A_0, %arg0 : i32
    %mul3A_1 = arith.constant 10000 : i32
    %mul3A_2 = arith.muli %add3A, %mul3A_1 : i32
    %broadcast_in_dim3A = arith.constant 0.000000e+00 : f32
    %broadcast_in_dim3A_3 = vector.broadcast %broadcast_in_dim3A : f32 to vector<16xf32>
    %broadcast_in_dim3A_4 = arith.constant 1.000000e+00 : f32
    %broadcast_in_dim3A_5 = vector.broadcast %broadcast_in_dim3A_4 : f32 to vector<16xf32>
    %scan3A = arith.constant 0 : i32
    %scan3A_6 = arith.constant 0 : i32
    %scan3A_7 = arith.constant 625 : i32
    %scan3A_8 = arith.addi %scan3A_6, %scan3A_7 : i32
    %scan3A_9 = arith.constant 1 : i32
    scf.for %scan3A_19 = %scan3A_6 to %scan3A_8 step %scan3A_9  : i32 {
      %mul3A_20 = arith.constant 16 : i32
      %mul3A_21 = arith.muli %scan3A_19, %mul3A_20 : i32
      %swap3A = arith.index_cast %mul3A_21 : i32 to index
      %swap3A_22 = tpu.vector_load %arg5[%swap3A] {strides = array<i32>} : memref<10000xf32, #tpu.memory_space<vmem>>, vector<16xf32>,
      tpu.vector_store %arg5[%swap3A], %broadcast_in_dim3A_3 {strides = array<i32>} : memref<10000xf32, #tpu.memory_space<vmem>>, vector<16xf32>,
    }
    %scan3A_10 = arith.constant 625 : i32
    %scan3A_11 = arith.constant 0 : i32
    %scan3A_12 = arith.constant 0 : i32
    %scan3A_13 = arith.constant 5 : i32
    %scan3A_14 = arith.addi %scan3A_12, %scan3A_13 : i32
    %scan3A_15 = arith.constant 1 : i32
    scf.for %scan3A_19 = %scan3A_12 to %scan3A_14 step %scan3A_15  : i32 {
      %mul3A_20 = arith.constant 2000 : i32
      %mul3A_21 = arith.muli %scan3A_19, %mul3A_20 : i32
      %add3A_22 = arith.addi %mul3A_2, %mul3A_21 : i32
      "tpu.region"() ({
        %run_scoped3A = tpu.sem_alloc : memref<!tpu.dma_semaphore, #tpu.memory_space<semaphore_mem>>
        %dma_start3A = tpu.memref_slice %arg2[%add3A_22] : memref<320000xi32, #tpu.memory_space<hbm>> -> memref<2000xi32, #tpu.memory_space<hbm>>
        %dma_start3A_29 = tpu.memref_slice %arg2[%add3A_22] : memref<320000xi32, #tpu.memory_space<hbm>> -> memref<2000xi32, #tpu.memory_space<hbm>>
        tpu.enqueue_dma source(%dma_start3A_29 : memref<2000xi32, #tpu.memory_space<hbm>>) target(%arg4 : memref<2000xi32, #tpu.memory_space<vmem>>) target_semaphore(%run_scoped3A : memref<!tpu.dma_semaphore, #tpu.memory_space<semaphore_mem>>)
        %dma_wait3A = tpu.memref_slice %arg2[%add3A_22] : memref<320000xi32, #tpu.memory_space<hbm>> -> memref<2000xi32, #tpu.memory_space<hbm>>
        %dma_wait3A_30 = tpu.memref_slice %arg2[%add3A_22] : memref<320000xi32, #tpu.memory_space<hbm>> -> memref<2000xi32, #tpu.memory_space<hbm>>
        tpu.wait_dma2 semaphore(%run_scoped3A : memref<!tpu.dma_semaphore, #tpu.memory_space<semaphore_mem>>) src(%dma_wait3A_30 : memref<2000xi32, #tpu.memory_space<hbm>>) dst(%arg4 : memref<2000xi32, #tpu.memory_space<vmem>>)
        tpu.yield
      }) : () -> ()
      %scan3A_23 = arith.constant 0 : i32
      %scan3A_24 = arith.constant 0 : i32
      %scan3A_25 = arith.constant 125 : i32
      %scan3A_26 = arith.addi %scan3A_24, %scan3A_25 : i32
      %scan3A_27 = arith.constant 1 : i32
      scf.for %scan3A_29 = %scan3A_24 to %scan3A_26 step %scan3A_27  : i32 {
        %mul3A_30 = arith.constant 16 : i32
        %mul3A_31 = arith.muli %scan3A_29, %mul3A_30 : i32
        %get3A = arith.index_cast %mul3A_31 : i32 to index
        %get3A_32 = tpu.vector_load %arg4[%get3A] {strides = array<i32>} : memref<2000xi32, #tpu.memory_space<vmem>>, vector<16xi32>,
        tpu.vector_store_idx %arg5[%get3A_32], %broadcast_in_dim3A_5 {add = true} : memref<10000xf32, #tpu.memory_space<vmem>>[vector<16xi32>], vector<16xf32>,
      }
      %scan3A_28 = arith.constant 125 : i32
    }
    %scan3A_16 = arith.constant 5 : i32
    %mul3A_17 = arith.constant 10000 : i32
    %mul3A_18 = arith.muli %add3A, %mul3A_17 : i32
    "tpu.region"() ({
      %run_scoped3A = tpu.sem_alloc : memref<!tpu.dma_semaphore, #tpu.memory_space<semaphore_mem>>
      %dma_start3A = tpu.memref_slice %arg3[%mul3A_18] : memref<320000xf32, #tpu.memory_space<hbm>> -> memref<10000xf32, #tpu.memory_space<hbm>>
      %dma_start3A_19 = tpu.memref_slice %arg3[%mul3A_18] : memref<320000xf32, #tpu.memory_space<hbm>> -> memref<10000xf32, #tpu.memory_space<hbm>>
      tpu.enqueue_dma source(%arg5 : memref<10000xf32, #tpu.memory_space<vmem>>) target(%dma_start3A_19 : memref<10000xf32, #tpu.memory_space<hbm>>) target_semaphore(%run_scoped3A : memref<!tpu.dma_semaphore, #tpu.memory_space<semaphore_mem>>)
      %dma_wait3A = tpu.memref_slice %arg3[%mul3A_18] : memref<320000xf32, #tpu.memory_space<hbm>> -> memref<10000xf32, #tpu.memory_space<hbm>>
      %dma_wait3A_20 = tpu.memref_slice %arg3[%mul3A_18] : memref<320000xf32, #tpu.memory_space<hbm>> -> memref<10000xf32, #tpu.memory_space<hbm>>
      tpu.wait_dma2 semaphore(%run_scoped3A : memref<!tpu.dma_semaphore, #tpu.memory_space<semaphore_mem>>) src(%arg5 : memref<10000xf32, #tpu.memory_space<vmem>>) dst(%dma_wait3A_20 : memref<10000xf32, #tpu.memory_space<hbm>>)
      tpu.yield
    }) : () -> ()
    return
  }
}

#map = affine_map<(d0, d1) -> (0, 0)>
#map1 = affine_map<(d0, d1) -> (0)>
module attributes {stable_mosaic.version = 14 : i64} {
  func.func @_gather_body(%arg0: i32, %arg1: i32, %arg2: memref<10000x128xf32, #tpu.memory_space<hbm>>, %arg3: memref<320000xi32, #tpu.memory_space<hbm>>, %arg4: memref<320000x128xf32, #tpu.memory_space<hbm>>, %arg5: memref<400xi32, #tpu.memory_space<vmem>>, %arg6: memref<400xi32, #tpu.memory_space<vmem>>, %arg7: memref<400x128xf32, #tpu.memory_space<vmem>>, %arg8: memref<400x128xf32, #tpu.memory_space<vmem>>, %arg9: memref<!tpu.dma_semaphore, #tpu.memory_space<semaphore_mem>>, %arg10: memref<!tpu.dma_semaphore, #tpu.memory_space<semaphore_mem>>, %arg11: memref<!tpu.dma_semaphore, #tpu.memory_space<semaphore_mem>>, %arg12: memref<!tpu.dma_semaphore, #tpu.memory_space<semaphore_mem>>) attributes {dimension_semantics = [#tpu.dimension_semantics<core_parallel>, #tpu.dimension_semantics<subcore_parallel>], iteration_bounds = array<i64: 2, 16>, scalar_prefetch = 0 : i64, scratch_operands = 8 : i64, tpu.core_type = #tpu.core_type<sc_vector_subcore>, window_params = [{transform_indices = #map}, {transform_indices = #map1}, {transform_indices = #map}]} {
    %mul3A = arith.constant 2 : i32
    %mul3A_0 = arith.muli %arg1, %mul3A : i32
    %add3A = arith.addi %mul3A_0, %arg0 : i32
    %mul3A_1 = arith.constant 10000 : i32
    %mul3A_2 = arith.muli %add3A, %mul3A_1 : i32
    %add3A_3 = arith.constant 0 : i32
    %add3A_4 = arith.addi %add3A_3, %mul3A_2 : i32
    %mul3A_5 = arith.constant 10000 : i32
    %mul3A_6 = arith.muli %add3A, %mul3A_5 : i32
    %add3A_7 = arith.constant 0 : i32
    %add3A_8 = arith.addi %add3A_4, %add3A_7 : i32
    %dma_start3A = tpu.memref_slice %arg3[%add3A_8] : memref<320000xi32, #tpu.memory_space<hbm>> -> memref<400xi32, #tpu.memory_space<hbm>>
    %dma_start3A_9 = tpu.memref_slice %arg3[%add3A_8] : memref<320000xi32, #tpu.memory_space<hbm>> -> memref<400xi32, #tpu.memory_space<hbm>>
    tpu.enqueue_dma source(%dma_start3A_9 : memref<400xi32, #tpu.memory_space<hbm>>) target(%arg5 : memref<400xi32, #tpu.memory_space<vmem>>) target_semaphore(%arg9 : memref<!tpu.dma_semaphore, #tpu.memory_space<semaphore_mem>>)
    %scan3A = arith.constant 0 : i32
    %scan3A_10 = arith.constant 0 : i32
    %scan3A_11 = arith.constant 12 : i32
    %scan3A_12 = arith.addi %scan3A_10, %scan3A_11 : i32
    %scan3A_13 = arith.constant 1 : i32
    scf.for %scan3A_31 = %scan3A_10 to %scan3A_12 step %scan3A_13  : i32 {
      %mul3A_32 = arith.constant 2 : i32
      %mul3A_33 = arith.muli %mul3A_32, %scan3A_31 : i32
      %mul3A_34 = arith.constant 400 : i32
      %mul3A_35 = arith.muli %mul3A_33, %mul3A_34 : i32
      %add3A_36 = arith.addi %add3A_4, %mul3A_35 : i32
      %dma_wait3A_37 = tpu.memref_slice %arg3[%add3A_36] : memref<320000xi32, #tpu.memory_space<hbm>> -> memref<400xi32, #tpu.memory_space<hbm>>
      %dma_wait3A_38 = tpu.memref_slice %arg3[%add3A_36] : memref<320000xi32, #tpu.memory_space<hbm>> -> memref<400xi32, #tpu.memory_space<hbm>>
      tpu.wait_dma2 semaphore(%arg9 : memref<!tpu.dma_semaphore, #tpu.memory_space<semaphore_mem>>) src(%dma_wait3A_38 : memref<400xi32, #tpu.memory_space<hbm>>) dst(%arg5 : memref<400xi32, #tpu.memory_space<vmem>>)
      %dma_start3A_39 = arith.constant 0 : i32
      %dma_start3A_40 = arith.constant 0 : i32
      %dma_start3A_41 = tpu.memref_slice %arg2[%dma_start3A_39, %dma_start3A_40] : memref<10000x128xf32, #tpu.memory_space<hbm>> -> memref<10000x128xf32, #tpu.memory_space<hbm>>
      tpu.enqueue_indirect_dma source(%dma_start3A_41 : memref<10000x128xf32, #tpu.memory_space<hbm>>) target(%arg7 : memref<400x128xf32, #tpu.memory_space<vmem>>) offsets(%arg5 : memref<400xi32, #tpu.memory_space<vmem>>) semaphore(%arg11 : memref<!tpu.dma_semaphore, #tpu.memory_space<semaphore_mem>>)
      %ge3A = arith.constant 1 : i32
      %ge3A_42 = arith.cmpi sge, %mul3A_33, %ge3A : i32
      %convert_element_type3A = arith.extui %ge3A_42 : i1 to i32
      %cond3A = arith.constant 0 : i32
      %cond3A_43 = arith.cmpi ne, %convert_element_type3A, %cond3A : i32
      scf.if %cond3A_43 {
        %sub3A = arith.constant 1 : i32
        %sub3A_74 = arith.subi %mul3A_33, %sub3A : i32
        %mul3A_75 = arith.constant 400 : i32
        %mul3A_76 = arith.muli %sub3A_74, %mul3A_75 : i32
        %add3A_77 = arith.addi %mul3A_6, %mul3A_76 : i32
        %dma_wait3A_78 = arith.constant 0 : i32
        %dma_wait3A_79 = arith.constant 0 : i32
        %dma_wait3A_80 = tpu.memref_slice %arg2[%dma_wait3A_78, %dma_wait3A_79] : memref<10000x128xf32, #tpu.memory_space<hbm>> -> memref<10000x128xf32, #tpu.memory_space<hbm>>
        tpu.wait_indirect_dma semaphore(%arg12 : memref<!tpu.dma_semaphore, #tpu.memory_space<semaphore_mem>>) src(%dma_wait3A_80 : memref<10000x128xf32, #tpu.memory_space<hbm>>) dst(%arg8 : memref<400x128xf32, #tpu.memory_space<vmem>>)
        "tpu.region"() ({
          %run_scoped3A = tpu.sem_alloc : memref<!tpu.dma_semaphore, #tpu.memory_space<semaphore_mem>>
          %dma_start3A_81 = arith.constant 0 : i32
          %dma_start3A_82 = tpu.memref_slice %arg4[%add3A_77, %dma_start3A_81] : memref<320000x128xf32, #tpu.memory_space<hbm>> -> memref<400x128xf32, #tpu.memory_space<hbm>>
          %dma_start3A_83 = arith.constant 0 : i32
          %dma_start3A_84 = tpu.memref_slice %arg4[%add3A_77, %dma_start3A_83] : memref<320000x128xf32, #tpu.memory_space<hbm>> -> memref<400x128xf32, #tpu.memory_space<hbm>>
          tpu.enqueue_dma source(%arg8 : memref<400x128xf32, #tpu.memory_space<vmem>>) target(%dma_start3A_84 : memref<400x128xf32, #tpu.memory_space<hbm>>) target_semaphore(%run_scoped3A : memref<!tpu.dma_semaphore, #tpu.memory_space<semaphore_mem>>)
          %dma_wait3A_85 = arith.constant 0 : i32
          %dma_wait3A_86 = tpu.memref_slice %arg4[%add3A_77, %dma_wait3A_85] : memref<320000x128xf32, #tpu.memory_space<hbm>> -> memref<400x128xf32, #tpu.memory_space<hbm>>
          %dma_wait3A_87 = arith.constant 0 : i32
          %dma_wait3A_88 = tpu.memref_slice %arg4[%add3A_77, %dma_wait3A_87] : memref<320000x128xf32, #tpu.memory_space<hbm>> -> memref<400x128xf32, #tpu.memory_space<hbm>>
          tpu.wait_dma2 semaphore(%run_scoped3A : memref<!tpu.dma_semaphore, #tpu.memory_space<semaphore_mem>>) src(%arg8 : memref<400x128xf32, #tpu.memory_space<vmem>>) dst(%dma_wait3A_88 : memref<400x128xf32, #tpu.memory_space<hbm>>)
          tpu.yield
        }) : () -> ()
      } else {
      }
      %add3A_44 = arith.constant 1 : i32
      %add3A_45 = arith.addi %mul3A_33, %add3A_44 : i32
      %le3A = arith.constant 24 : i32
      %le3A_46 = arith.cmpi sle, %add3A_45, %le3A : i32
      %convert_element_type3A_47 = arith.extui %le3A_46 : i1 to i32
      %cond3A_48 = arith.constant 0 : i32
      %cond3A_49 = arith.cmpi ne, %convert_element_type3A_47, %cond3A_48 : i32
      scf.if %cond3A_49 {
        %add3A_74 = arith.constant 1 : i32
        %add3A_75 = arith.addi %mul3A_33, %add3A_74 : i32
        %mul3A_76 = arith.constant 400 : i32
        %mul3A_77 = arith.muli %add3A_75, %mul3A_76 : i32
        %add3A_78 = arith.addi %add3A_4, %mul3A_77 : i32
        %dma_start3A_79 = tpu.memref_slice %arg3[%add3A_78] : memref<320000xi32, #tpu.memory_space<hbm>> -> memref<400xi32, #tpu.memory_space<hbm>>
        %dma_start3A_80 = tpu.memref_slice %arg3[%add3A_78] : memref<320000xi32, #tpu.memory_space<hbm>> -> memref<400xi32, #tpu.memory_space<hbm>>
        tpu.enqueue_dma source(%dma_start3A_80 : memref<400xi32, #tpu.memory_space<hbm>>) target(%arg6 : memref<400xi32, #tpu.memory_space<vmem>>) target_semaphore(%arg10 : memref<!tpu.dma_semaphore, #tpu.memory_space<semaphore_mem>>)
      } else {
      }
      %mul3A_50 = arith.constant 2 : i32
      %mul3A_51 = arith.muli %mul3A_50, %scan3A_31 : i32
      %add3A_52 = arith.constant 1 : i32
      %add3A_53 = arith.addi %mul3A_51, %add3A_52 : i32
      %mul3A_54 = arith.constant 400 : i32
      %mul3A_55 = arith.muli %add3A_53, %mul3A_54 : i32
      %add3A_56 = arith.addi %add3A_4, %mul3A_55 : i32
      %dma_wait3A_57 = tpu.memref_slice %arg3[%add3A_56] : memref<320000xi32, #tpu.memory_space<hbm>> -> memref<400xi32, #tpu.memory_space<hbm>>
      %dma_wait3A_58 = tpu.memref_slice %arg3[%add3A_56] : memref<320000xi32, #tpu.memory_space<hbm>> -> memref<400xi32, #tpu.memory_space<hbm>>
      tpu.wait_dma2 semaphore(%arg10 : memref<!tpu.dma_semaphore, #tpu.memory_space<semaphore_mem>>) src(%dma_wait3A_58 : memref<400xi32, #tpu.memory_space<hbm>>) dst(%arg6 : memref<400xi32, #tpu.memory_space<vmem>>)
      %dma_start3A_59 = arith.constant 0 : i32
      %dma_start3A_60 = arith.constant 0 : i32
      %dma_start3A_61 = tpu.memref_slice %arg2[%dma_start3A_59, %dma_start3A_60] : memref<10000x128xf32, #tpu.memory_space<hbm>> -> memref<10000x128xf32, #tpu.memory_space<hbm>>
      tpu.enqueue_indirect_dma source(%dma_start3A_61 : memref<10000x128xf32, #tpu.memory_space<hbm>>) target(%arg8 : memref<400x128xf32, #tpu.memory_space<vmem>>) offsets(%arg6 : memref<400xi32, #tpu.memory_space<vmem>>) semaphore(%arg12 : memref<!tpu.dma_semaphore, #tpu.memory_space<semaphore_mem>>)
      %ge3A_62 = arith.constant 1 : i32
      %ge3A_63 = arith.cmpi sge, %add3A_53, %ge3A_62 : i32
      %convert_element_type3A_64 = arith.extui %ge3A_63 : i1 to i32
      %cond3A_65 = arith.constant 0 : i32
      %cond3A_66 = arith.cmpi ne, %convert_element_type3A_64, %cond3A_65 : i32
      scf.if %cond3A_66 {
        %sub3A = arith.constant 1 : i32
        %sub3A_74 = arith.subi %add3A_53, %sub3A : i32
        %mul3A_75 = arith.constant 400 : i32
        %mul3A_76 = arith.muli %sub3A_74, %mul3A_75 : i32
        %add3A_77 = arith.addi %mul3A_6, %mul3A_76 : i32
        %dma_wait3A_78 = arith.constant 0 : i32
        %dma_wait3A_79 = arith.constant 0 : i32
        %dma_wait3A_80 = tpu.memref_slice %arg2[%dma_wait3A_78, %dma_wait3A_79] : memref<10000x128xf32, #tpu.memory_space<hbm>> -> memref<10000x128xf32, #tpu.memory_space<hbm>>
        tpu.wait_indirect_dma semaphore(%arg11 : memref<!tpu.dma_semaphore, #tpu.memory_space<semaphore_mem>>) src(%dma_wait3A_80 : memref<10000x128xf32, #tpu.memory_space<hbm>>) dst(%arg7 : memref<400x128xf32, #tpu.memory_space<vmem>>)
        "tpu.region"() ({
          %run_scoped3A = tpu.sem_alloc : memref<!tpu.dma_semaphore, #tpu.memory_space<semaphore_mem>>
          %dma_start3A_81 = arith.constant 0 : i32
          %dma_start3A_82 = tpu.memref_slice %arg4[%add3A_77, %dma_start3A_81] : memref<320000x128xf32, #tpu.memory_space<hbm>> -> memref<400x128xf32, #tpu.memory_space<hbm>>
          %dma_start3A_83 = arith.constant 0 : i32
          %dma_start3A_84 = tpu.memref_slice %arg4[%add3A_77, %dma_start3A_83] : memref<320000x128xf32, #tpu.memory_space<hbm>> -> memref<400x128xf32, #tpu.memory_space<hbm>>
          tpu.enqueue_dma source(%arg7 : memref<400x128xf32, #tpu.memory_space<vmem>>) target(%dma_start3A_84 : memref<400x128xf32, #tpu.memory_space<hbm>>) target_semaphore(%run_scoped3A : memref<!tpu.dma_semaphore, #tpu.memory_space<semaphore_mem>>)
          %dma_wait3A_85 = arith.constant 0 : i32
          %dma_wait3A_86 = tpu.memref_slice %arg4[%add3A_77, %dma_wait3A_85] : memref<320000x128xf32, #tpu.memory_space<hbm>> -> memref<400x128xf32, #tpu.memory_space<hbm>>
          %dma_wait3A_87 = arith.constant 0 : i32
          %dma_wait3A_88 = tpu.memref_slice %arg4[%add3A_77, %dma_wait3A_87] : memref<320000x128xf32, #tpu.memory_space<hbm>> -> memref<400x128xf32, #tpu.memory_space<hbm>>
          tpu.wait_dma2 semaphore(%run_scoped3A : memref<!tpu.dma_semaphore, #tpu.memory_space<semaphore_mem>>) src(%arg7 : memref<400x128xf32, #tpu.memory_space<vmem>>) dst(%dma_wait3A_88 : memref<400x128xf32, #tpu.memory_space<hbm>>)
          tpu.yield
        }) : () -> ()
      } else {
      }
      %add3A_67 = arith.constant 1 : i32
      %add3A_68 = arith.addi %add3A_53, %add3A_67 : i32
      %le3A_69 = arith.constant 24 : i32
      %le3A_70 = arith.cmpi sle, %add3A_68, %le3A_69 : i32
      %convert_element_type3A_71 = arith.extui %le3A_70 : i1 to i32
      %cond3A_72 = arith.constant 0 : i32
      %cond3A_73 = arith.cmpi ne, %convert_element_type3A_71, %cond3A_72 : i32
      scf.if %cond3A_73 {
        %add3A_74 = arith.constant 1 : i32
        %add3A_75 = arith.addi %add3A_53, %add3A_74 : i32
        %mul3A_76 = arith.constant 400 : i32
        %mul3A_77 = arith.muli %add3A_75, %mul3A_76 : i32
        %add3A_78 = arith.addi %add3A_4, %mul3A_77 : i32
        %dma_start3A_79 = tpu.memref_slice %arg3[%add3A_78] : memref<320000xi32, #tpu.memory_space<hbm>> -> memref<400xi32, #tpu.memory_space<hbm>>
        %dma_start3A_80 = tpu.memref_slice %arg3[%add3A_78] : memref<320000xi32, #tpu.memory_space<hbm>> -> memref<400xi32, #tpu.memory_space<hbm>>
        tpu.enqueue_dma source(%dma_start3A_80 : memref<400xi32, #tpu.memory_space<hbm>>) target(%arg5 : memref<400xi32, #tpu.memory_space<vmem>>) target_semaphore(%arg9 : memref<!tpu.dma_semaphore, #tpu.memory_space<semaphore_mem>>)
      } else {
      }
    }
    %scan3A_14 = arith.constant 12 : i32
    %add3A_15 = arith.constant 9600 : i32
    %add3A_16 = arith.addi %add3A_4, %add3A_15 : i32
    %dma_wait3A = tpu.memref_slice %arg3[%add3A_16] : memref<320000xi32, #tpu.memory_space<hbm>> -> memref<400xi32, #tpu.memory_space<hbm>>
    %dma_wait3A_17 = tpu.memref_slice %arg3[%add3A_16] : memref<320000xi32, #tpu.memory_space<hbm>> -> memref<400xi32, #tpu.memory_space<hbm>>
    tpu.wait_dma2 semaphore(%arg9 : memref<!tpu.dma_semaphore, #tpu.memory_space<semaphore_mem>>) src(%dma_wait3A_17 : memref<400xi32, #tpu.memory_space<hbm>>) dst(%arg5 : memref<400xi32, #tpu.memory_space<vmem>>)
    %dma_start3A_18 = arith.constant 0 : i32
    %dma_start3A_19 = arith.constant 0 : i32
    %dma_start3A_20 = tpu.memref_slice %arg2[%dma_start3A_18, %dma_start3A_19] : memref<10000x128xf32, #tpu.memory_space<hbm>> -> memref<10000x128xf32, #tpu.memory_space<hbm>>
    tpu.enqueue_indirect_dma source(%dma_start3A_20 : memref<10000x128xf32, #tpu.memory_space<hbm>>) target(%arg7 : memref<400x128xf32, #tpu.memory_space<vmem>>) offsets(%arg5 : memref<400xi32, #tpu.memory_space<vmem>>) semaphore(%arg11 : memref<!tpu.dma_semaphore, #tpu.memory_space<semaphore_mem>>)
    %dma_wait3A_21 = arith.constant 0 : i32
    %dma_wait3A_22 = arith.constant 0 : i32
    %dma_wait3A_23 = tpu.memref_slice %arg2[%dma_wait3A_21, %dma_wait3A_22] : memref<10000x128xf32, #tpu.memory_space<hbm>> -> memref<10000x128xf32, #tpu.memory_space<hbm>>
    tpu.wait_indirect_dma semaphore(%arg12 : memref<!tpu.dma_semaphore, #tpu.memory_space<semaphore_mem>>) src(%dma_wait3A_23 : memref<10000x128xf32, #tpu.memory_space<hbm>>) dst(%arg8 : memref<400x128xf32, #tpu.memory_space<vmem>>)
    %add3A_24 = arith.constant 9200 : i32
    %add3A_25 = arith.addi %mul3A_6, %add3A_24 : i32
    "tpu.region"() ({
      %run_scoped3A = tpu.sem_alloc : memref<!tpu.dma_semaphore, #tpu.memory_space<semaphore_mem>>
      %dma_start3A_31 = arith.constant 0 : i32
      %dma_start3A_32 = tpu.memref_slice %arg4[%add3A_25, %dma_start3A_31] : memref<320000x128xf32, #tpu.memory_space<hbm>> -> memref<400x128xf32, #tpu.memory_space<hbm>>
      %dma_start3A_33 = arith.constant 0 : i32
      %dma_start3A_34 = tpu.memref_slice %arg4[%add3A_25, %dma_start3A_33] : memref<320000x128xf32, #tpu.memory_space<hbm>> -> memref<400x128xf32, #tpu.memory_space<hbm>>
      tpu.enqueue_dma source(%arg8 : memref<400x128xf32, #tpu.memory_space<vmem>>) target(%dma_start3A_34 : memref<400x128xf32, #tpu.memory_space<hbm>>) target_semaphore(%run_scoped3A : memref<!tpu.dma_semaphore, #tpu.memory_space<semaphore_mem>>)
      %dma_wait3A_35 = arith.constant 0 : i32
      %dma_wait3A_36 = tpu.memref_slice %arg4[%add3A_25, %dma_wait3A_35] : memref<320000x128xf32, #tpu.memory_space<hbm>> -> memref<400x128xf32, #tpu.memory_space<hbm>>
      %dma_wait3A_37 = arith.constant 0 : i32
      %dma_wait3A_38 = tpu.memref_slice %arg4[%add3A_25, %dma_wait3A_37] : memref<320000x128xf32, #tpu.memory_space<hbm>> -> memref<400x128xf32, #tpu.memory_space<hbm>>
      tpu.wait_dma2 semaphore(%run_scoped3A : memref<!tpu.dma_semaphore, #tpu.memory_space<semaphore_mem>>) src(%arg8 : memref<400x128xf32, #tpu.memory_space<vmem>>) dst(%dma_wait3A_38 : memref<400x128xf32, #tpu.memory_space<hbm>>)
      tpu.yield
    }) : () -> ()
    %dma_wait3A_26 = arith.constant 0 : i32
    %dma_wait3A_27 = arith.constant 0 : i32
    %dma_wait3A_28 = tpu.memref_slice %arg2[%dma_wait3A_26, %dma_wait3A_27] : memref<10000x128xf32, #tpu.memory_space<hbm>> -> memref<10000x128xf32, #tpu.memory_space<hbm>>
    tpu.wait_indirect_dma semaphore(%arg11 : memref<!tpu.dma_semaphore, #tpu.memory_space<semaphore_mem>>) src(%dma_wait3A_28 : memref<10000x128xf32, #tpu.memory_space<hbm>>) dst(%arg7 : memref<400x128xf32, #tpu.memory_space<vmem>>)
    %add3A_29 = arith.constant 9600 : i32
    %add3A_30 = arith.addi %mul3A_6, %add3A_29 : i32
    "tpu.region"() ({
      %run_scoped3A = tpu.sem_alloc : memref<!tpu.dma_semaphore, #tpu.memory_space<semaphore_mem>>
      %dma_start3A_31 = arith.constant 0 : i32
      %dma_start3A_32 = tpu.memref_slice %arg4[%add3A_30, %dma_start3A_31] : memref<320000x128xf32, #tpu.memory_space<hbm>> -> memref<400x128xf32, #tpu.memory_space<hbm>>
      %dma_start3A_33 = arith.constant 0 : i32
      %dma_start3A_34 = tpu.memref_slice %arg4[%add3A_30, %dma_start3A_33] : memref<320000x128xf32, #tpu.memory_space<hbm>> -> memref<400x128xf32, #tpu.memory_space<hbm>>
      tpu.enqueue_dma source(%arg7 : memref<400x128xf32, #tpu.memory_space<vmem>>) target(%dma_start3A_34 : memref<400x128xf32, #tpu.memory_space<hbm>>) target_semaphore(%run_scoped3A : memref<!tpu.dma_semaphore, #tpu.memory_space<semaphore_mem>>)
      %dma_wait3A_35 = arith.constant 0 : i32
      %dma_wait3A_36 = tpu.memref_slice %arg4[%add3A_30, %dma_wait3A_35] : memref<320000x128xf32, #tpu.memory_space<hbm>> -> memref<400x128xf32, #tpu.memory_space<hbm>>
      %dma_wait3A_37 = arith.constant 0 : i32
      %dma_wait3A_38 = tpu.memref_slice %arg4[%add3A_30, %dma_wait3A_37] : memref<320000x128xf32, #tpu.memory_space<hbm>> -> memref<400x128xf32, #tpu.memory_space<hbm>>
      tpu.wait_dma2 semaphore(%run_scoped3A : memref<!tpu.dma_semaphore, #tpu.memory_space<semaphore_mem>>) src(%arg7 : memref<400x128xf32, #tpu.memory_space<vmem>>) dst(%dma_wait3A_38 : memref<400x128xf32, #tpu.memory_space<hbm>>)
      tpu.yield
    }) : () -> ()
    return
  }
}

module attributes {stable_mosaic.version = 14 : i64} {
  func.func @_xw_body(%arg0: memref<10000x48xf32, #tpu.memory_space<vmem>>, %arg1: memref<48x128xf32, #tpu.memory_space<vmem>>, %arg2: memref<1x128xf32, #tpu.memory_space<vmem>>, %arg3: memref<10000x128xf32, #tpu.memory_space<vmem>>) attributes {dimension_semantics = [], scalar_prefetch = 0 : i64, scratch_operands = 0 : i64, tpu.core_type = #tpu.core_type<tc>} {
    %get3A = arith.constant 0 : index
    %get3A_0 = arith.constant 0 : index
    %get3A_1 = vector.load %arg0[%get3A, %get3A_0] : memref<10000x48xf32, #tpu.memory_space<vmem>>, vector<10000x48xf32>
    %get3A_2 = arith.constant 0 : index
    %get3A_3 = arith.constant 0 : index
    %get3A_4 = vector.load %arg1[%get3A_2, %get3A_3] : memref<48x128xf32, #tpu.memory_space<vmem>>, vector<48x128xf32>
    %dot_general3A = arith.constant dense<0.000000e+00> : vector<10000x128xf32>
    %dot_general3A_5 = tpu.matmul %get3A_1, %get3A_4, %dot_general3A {dimension_numbers = #tpu.dot_dimension_numbers<[1], [0], [0], [1], [0, 0, 1, 1], [], []>, transpose_lhs_hint = false} : vector<10000x48xf32>, vector<48x128xf32>, vector<10000x128xf32> -> vector<10000x128xf32>
    %get3A_6 = arith.constant 0 : index
    %get3A_7 = arith.constant 0 : index
    %get3A_8 = vector.load %arg2[%get3A_6, %get3A_7] : memref<1x128xf32, #tpu.memory_space<vmem>>, vector<1x128xf32>
    %add3A = vector.broadcast %get3A_8 : vector<1x128xf32> to vector<10000x128xf32>
    %add3A_9 = arith.addf %dot_general3A_5, %add3A : vector<10000x128xf32>
    %swap3A = arith.constant 0 : index
    %swap3A_10 = arith.constant 0 : index
    %swap3A_11 = vector.load %arg3[%swap3A, %swap3A_10] : memref<10000x128xf32, #tpu.memory_space<vmem>>, vector<10000x128xf32>
    tpu.vector_store %arg3[%swap3A, %swap3A_10], %add3A_9 {strides = array<i32>} : memref<10000x128xf32, #tpu.memory_space<vmem>>, vector<10000x128xf32>,
    return
  }
}

module attributes {stable_mosaic.version = 14 : i64} {
  func.func @_mlp1b_body(%arg0: i32, %arg1: memref<3200x128xf32, #tpu.memory_space<vmem>>, %arg2: memref<8x128xf32, #tpu.memory_space<vmem>>, %arg3: memref<1x128xf32, #tpu.memory_space<vmem>>, %arg4: memref<1x128xf32, #tpu.memory_space<vmem>>, %arg5: memref<128x128xf32, #tpu.memory_space<vmem>>, %arg6: memref<1x128xf32, #tpu.memory_space<vmem>>, %arg7: memref<3200x128xf32, #tpu.memory_space<vmem>>) attributes {dimension_semantics = [#tpu.dimension_semantics<arbitrary>], iteration_bounds = array<i64: 100>, scalar_prefetch = 0 : i64, scratch_operands = 0 : i64, tpu.core_type = #tpu.core_type<tc>, window_params = [{transform_indices = @transform_0, window_bounds = array<i64: 3200, 128>}, {pipeline_mode = #tpu.pipeline_mode<synchronous>, transform_indices = @transform_1, window_bounds = array<i64: 8, 128>}, {pipeline_mode = #tpu.pipeline_mode<synchronous>, transform_indices = @transform_2, window_bounds = array<i64: 1, 128>}, {pipeline_mode = #tpu.pipeline_mode<synchronous>, transform_indices = @transform_3, window_bounds = array<i64: 1, 128>}, {pipeline_mode = #tpu.pipeline_mode<synchronous>, transform_indices = @transform_4, window_bounds = array<i64: 128, 128>}, {pipeline_mode = #tpu.pipeline_mode<synchronous>, transform_indices = @transform_5, window_bounds = array<i64: 1, 128>}, {transform_indices = @transform_6, window_bounds = array<i64: 3200, 128>}]} {
    %get3A = arith.constant 0 : index
    %get3A_0 = arith.constant 0 : index
    %get3A_1 = vector.load %arg2[%get3A, %get3A_0] : memref<8x128xf32, #tpu.memory_space<vmem>>, vector<8x128xf32>
    %slice3A = vector.extract_strided_slice %get3A_1 {offsets = [0, 0], sizes = [1, 128], strides = [1, 1]} : vector<8x128xf32> to vector<1x128xf32>
    %mul3A = arith.constant 3.125000e-06 : f32
    %mul3A_2 = vector.broadcast %mul3A : f32 to vector<1x128xf32>
    %mul3A_3 = arith.mulf %slice3A, %mul3A_2 : vector<1x128xf32>
    %slice3A_4 = vector.extract_strided_slice %get3A_1 {offsets = [1, 0], sizes = [1, 128], strides = [1, 1]} : vector<8x128xf32> to vector<1x128xf32>
    %mul3A_5 = arith.constant 3.125000e-06 : f32
    %mul3A_6 = vector.broadcast %mul3A_5 : f32 to vector<1x128xf32>
    %mul3A_7 = arith.mulf %slice3A_4, %mul3A_6 : vector<1x128xf32>
    %mul3A_8 = arith.mulf %mul3A_3, %mul3A_3 : vector<1x128xf32>
    %sub3A = arith.subf %mul3A_7, %mul3A_8 : vector<1x128xf32>
    %get3A_9 = arith.constant 0 : index
    %get3A_10 = arith.constant 0 : index
    %get3A_11 = vector.load %arg3[%get3A_9, %get3A_10] : memref<1x128xf32, #tpu.memory_space<vmem>>, vector<1x128xf32>
    %add3A = arith.constant 9.99999974E-6 : f32
    %add3A_12 = vector.broadcast %add3A : f32 to vector<1x128xf32>
    %add3A_13 = arith.addf %sub3A, %add3A_12 : vector<1x128xf32>
    %rsqrt3A = math.rsqrt %add3A_13 : vector<1x128xf32>
    %mul3A_14 = arith.mulf %get3A_11, %rsqrt3A : vector<1x128xf32>
    %get3A_15 = arith.constant 0 : index
    %get3A_16 = arith.constant 0 : index
    %get3A_17 = vector.load %arg4[%get3A_15, %get3A_16] : memref<1x128xf32, #tpu.memory_space<vmem>>, vector<1x128xf32>
    %mul3A_18 = arith.mulf %mul3A_3, %mul3A_14 : vector<1x128xf32>
    %sub3A_19 = arith.subf %get3A_17, %mul3A_18 : vector<1x128xf32>
    %get3A_20 = arith.constant 0 : index
    %get3A_21 = arith.constant 0 : index
    %get3A_22 = vector.load %arg1[%get3A_20, %get3A_21] : memref<3200x128xf32, #tpu.memory_space<vmem>>, vector<3200x128xf32>
    %mul3A_23 = vector.broadcast %mul3A_14 : vector<1x128xf32> to vector<3200x128xf32>
    %mul3A_24 = arith.mulf %get3A_22, %mul3A_23 : vector<3200x128xf32>
    %add3A_25 = vector.broadcast %sub3A_19 : vector<1x128xf32> to vector<3200x128xf32>
    %add3A_26 = arith.addf %mul3A_24, %add3A_25 : vector<3200x128xf32>
    %max3A = arith.constant 0.000000e+00 : f32
    %max3A_27 = vector.broadcast %max3A : f32 to vector<3200x128xf32>
    %max3A_28 = arith.maximumf %add3A_26, %max3A_27 : vector<3200x128xf32>
    %get3A_29 = arith.constant 0 : index
    %get3A_30 = arith.constant 0 : index
    %get3A_31 = vector.load %arg5[%get3A_29, %get3A_30] : memref<128x128xf32, #tpu.memory_space<vmem>>, vector<128x128xf32>
    %dot_general3A = arith.constant dense<0.000000e+00> : vector<3200x128xf32>
    %dot_general3A_32 = tpu.matmul %max3A_28, %get3A_31, %dot_general3A {dimension_numbers = #tpu.dot_dimension_numbers<[1], [0], [0], [1], [0, 0, 1, 1], [], []>, transpose_lhs_hint = false} : vector<3200x128xf32>, vector<128x128xf32>, vector<3200x128xf32> -> vector<3200x128xf32>
    %get3A_33 = arith.constant 0 : index
    %get3A_34 = arith.constant 0 : index
    %get3A_35 = vector.load %arg6[%get3A_33, %get3A_34] : memref<1x128xf32, #tpu.memory_space<vmem>>, vector<1x128xf32>
    %add3A_36 = vector.broadcast %get3A_35 : vector<1x128xf32> to vector<3200x128xf32>
    %add3A_37 = arith.addf %dot_general3A_32, %add3A_36 : vector<3200x128xf32>
    %swap3A = arith.constant 0 : index
    %swap3A_38 = arith.constant 0 : index
    %swap3A_39 = vector.load %arg7[%swap3A, %swap3A_38] : memref<3200x128xf32, #tpu.memory_space<vmem>>, vector<3200x128xf32>
    tpu.vector_store %arg7[%swap3A, %swap3A_38], %add3A_37 {strides = array<i32>} : memref<3200x128xf32, #tpu.memory_space<vmem>>, vector<3200x128xf32>,
    return
  }
  func.func @transform_0(%arg0: i32) -> (i32, i32) {
    %c0_i32 = arith.constant 0 : i32
    %c0_i32_0 = arith.constant 0 : i32
    return %arg0, %c0_i32 : i32, i32
  }
  func.func @transform_1(%arg0: i32) -> (i32, i32) {
    %c0_i32 = arith.constant 0 : i32
    %c0_i32_0 = arith.constant 0 : i32
    %c0_i32_1 = arith.constant 0 : i32
    return %c0_i32, %c0_i32_0 : i32, i32
  }
  func.func @transform_2(%arg0: i32) -> (i32, i32) {
    %c0_i32 = arith.constant 0 : i32
    %c0_i32_0 = arith.constant 0 : i32
    %c0_i32_1 = arith.constant 0 : i32
    return %c0_i32, %c0_i32_0 : i32, i32
  }
  func.func @transform_3(%arg0: i32) -> (i32, i32) {
    %c0_i32 = arith.constant 0 : i32
    %c0_i32_0 = arith.constant 0 : i32
    %c0_i32_1 = arith.constant 0 : i32
    return %c0_i32, %c0_i32_0 : i32, i32
  }
  func.func @transform_4(%arg0: i32) -> (i32, i32) {
    %c0_i32 = arith.constant 0 : i32
    %c0_i32_0 = arith.constant 0 : i32
    %c0_i32_1 = arith.constant 0 : i32
    return %c0_i32, %c0_i32_0 : i32, i32
  }
  func.func @transform_5(%arg0: i32) -> (i32, i32) {
    %c0_i32 = arith.constant 0 : i32
    %c0_i32_0 = arith.constant 0 : i32
    %c0_i32_1 = arith.constant 0 : i32
    return %c0_i32, %c0_i32_0 : i32, i32
  }
  func.func @transform_6(%arg0: i32) -> (i32, i32) {
    %c0_i32 = arith.constant 0 : i32
    %c0_i32_0 = arith.constant 0 : i32
    return %arg0, %c0_i32 : i32, i32
  }
}

module attributes {stable_mosaic.version = 14 : i64} {
  func.func @_mlp1_body(%arg0: i32, %arg1: memref<3200x128xf32, #tpu.memory_space<vmem>>, %arg2: memref<3200x128xf32, #tpu.memory_space<vmem>>, %arg3: memref<128x128xf32, #tpu.memory_space<vmem>>, %arg4: memref<3200x128xf32, #tpu.memory_space<vmem>>, %arg5: memref<8x128xf32, #tpu.memory_space<vmem>>) attributes {dimension_semantics = [#tpu.dimension_semantics<arbitrary>], iteration_bounds = array<i64: 100>, scalar_prefetch = 0 : i64, scratch_operands = 0 : i64, tpu.core_type = #tpu.core_type<tc>, window_params = [{transform_indices = @transform_0, window_bounds = array<i64: 3200, 128>}, {transform_indices = @transform_1, window_bounds = array<i64: 3200, 128>}, {pipeline_mode = #tpu.pipeline_mode<synchronous>, transform_indices = @transform_2, window_bounds = array<i64: 128, 128>}, {transform_indices = @transform_3, window_bounds = array<i64: 3200, 128>}, {pipeline_mode = #tpu.pipeline_mode<synchronous>, transform_indices = @transform_4, window_bounds = array<i64: 8, 128>}]} {
    %get3A = arith.constant 0 : index
    %get3A_0 = arith.constant 0 : index
    %get3A_1 = vector.load %arg2[%get3A, %get3A_0] : memref<3200x128xf32, #tpu.memory_space<vmem>>, vector<3200x128xf32>
    %get3A_2 = arith.constant 0 : index
    %get3A_3 = arith.constant 0 : index
    %get3A_4 = vector.load %arg3[%get3A_2, %get3A_3] : memref<128x128xf32, #tpu.memory_space<vmem>>, vector<128x128xf32>
    %dot_general3A = arith.constant dense<0.000000e+00> : vector<3200x128xf32>
    %dot_general3A_5 = tpu.matmul %get3A_1, %get3A_4, %dot_general3A {dimension_numbers = #tpu.dot_dimension_numbers<[1], [0], [0], [1], [0, 0, 1, 1], [], []>, transpose_lhs_hint = false} : vector<3200x128xf32>, vector<128x128xf32>, vector<3200x128xf32> -> vector<3200x128xf32>
    %get3A_6 = arith.constant 0 : index
    %get3A_7 = arith.constant 0 : index
    %get3A_8 = vector.load %arg1[%get3A_6, %get3A_7] : memref<3200x128xf32, #tpu.memory_space<vmem>>, vector<3200x128xf32>
    %add3A = arith.addf %dot_general3A_5, %get3A_8 : vector<3200x128xf32>
    %swap3A = arith.constant 0 : index
    %swap3A_9 = arith.constant 0 : index
    %swap3A_10 = vector.load %arg4[%swap3A, %swap3A_9] : memref<3200x128xf32, #tpu.memory_space<vmem>>, vector<3200x128xf32>
    tpu.vector_store %arg4[%swap3A, %swap3A_9], %add3A {strides = array<i32>} : memref<3200x128xf32, #tpu.memory_space<vmem>>, vector<3200x128xf32>,
    %reduce_sum3A = arith.constant dense<0.000000e+00> : vector<128xf32>
    %reduce_sum3A_11 = vector.multi_reduction <add>, %add3A, %reduce_sum3A [0] : vector<3200x128xf32> to vector<128xf32>
    %broadcast_in_dim3A = vector.shape_cast %reduce_sum3A_11 : vector<128xf32> to vector<1x128xf32>
    %mul3A = arith.mulf %add3A, %add3A : vector<3200x128xf32>
    %reduce_sum3A_12 = arith.constant dense<0.000000e+00> : vector<128xf32>
    %reduce_sum3A_13 = vector.multi_reduction <add>, %mul3A, %reduce_sum3A_12 [0] : vector<3200x128xf32> to vector<128xf32>
    %broadcast_in_dim3A_14 = vector.shape_cast %reduce_sum3A_13 : vector<128xf32> to vector<1x128xf32>
    %broadcast_in_dim3A_15 = arith.constant 0.000000e+00 : f32
    %broadcast_in_dim3A_16 = vector.broadcast %broadcast_in_dim3A_15 : f32 to vector<6x128xf32>
    %concatenate3A = tpu.concatenate %broadcast_in_dim3A, %broadcast_in_dim3A_14, %broadcast_in_dim3A_16 in 0 : vector<1x128xf32>, vector<1x128xf32>, vector<6x128xf32> -> vector<8x128xf32>
    %eq3A = arith.constant 0 : i32
    %eq3A_17 = arith.cmpi eq, %arg0, %eq3A : i32
    %convert_element_type3A = arith.extui %eq3A_17 : i1 to i32
    %cond3A = arith.constant 0 : i32
    %cond3A_18 = arith.cmpi ne, %convert_element_type3A, %cond3A : i32
    scf.if %cond3A_18 {
      %broadcast_in_dim3A_26 = arith.constant 0.000000e+00 : f32
      %broadcast_in_dim3A_27 = vector.broadcast %broadcast_in_dim3A_26 : f32 to vector<8x128xf32>
      %swap3A_28 = arith.constant 0 : index
      %swap3A_29 = arith.constant 0 : index
      %swap3A_30 = vector.load %arg5[%swap3A_28, %swap3A_29] : memref<8x128xf32, #tpu.memory_space<vmem>>, vector<8x128xf32>
      tpu.vector_store %arg5[%swap3A_28, %swap3A_29], %broadcast_in_dim3A_27 {strides = array<i32>} : memref<8x128xf32, #tpu.memory_space<vmem>>, vector<8x128xf32>,
    } else {
    }
    %get3A_19 = arith.constant 0 : index
    %get3A_20 = arith.constant 0 : index
    %get3A_21 = vector.load %arg5[%get3A_19, %get3A_20] : memref<8x128xf32, #tpu.memory_space<vmem>>, vector<8x128xf32>
    %add3A_22 = arith.addf %get3A_21, %concatenate3A : vector<8x128xf32>
    %swap3A_23 = arith.constant 0 : index
    %swap3A_24 = arith.constant 0 : index
    %swap3A_25 = vector.load %arg5[%swap3A_23, %swap3A_24] : memref<8x128xf32, #tpu.memory_space<vmem>>, vector<8x128xf32>
    tpu.vector_store %arg5[%swap3A_23, %swap3A_24], %add3A_22 {strides = array<i32>} : memref<8x128xf32, #tpu.memory_space<vmem>>, vector<8x128xf32>,
    return
  }
  func.func @transform_0(%arg0: i32) -> (i32, i32) {
    %c0_i32 = arith.constant 0 : i32
    %c0_i32_0 = arith.constant 0 : i32
    return %arg0, %c0_i32 : i32, i32
  }
  func.func @transform_1(%arg0: i32) -> (i32, i32) {
    %c0_i32 = arith.constant 0 : i32
    %c0_i32_0 = arith.constant 0 : i32
    return %arg0, %c0_i32 : i32, i32
  }
  func.func @transform_2(%arg0: i32) -> (i32, i32) {
    %c0_i32 = arith.constant 0 : i32
    %c0_i32_0 = arith.constant 0 : i32
    %c0_i32_1 = arith.constant 0 : i32
    return %c0_i32, %c0_i32_0 : i32, i32
  }
  func.func @transform_3(%arg0: i32) -> (i32, i32) {
    %c0_i32 = arith.constant 0 : i32
    %c0_i32_0 = arith.constant 0 : i32
    return %arg0, %c0_i32 : i32, i32
  }
  func.func @transform_4(%arg0: i32) -> (i32, i32) {
    %c0_i32 = arith.constant 0 : i32
    %c0_i32_0 = arith.constant 0 : i32
    %c0_i32_1 = arith.constant 0 : i32
    return %c0_i32, %c0_i32_0 : i32, i32
  }
}

module attributes {stable_mosaic.version = 14 : i64} {
  func.func @_node_body(%arg0: memref<20480x128xf32, #tpu.memory_space<vmem>>, %arg1: memref<32x10000xf32, #tpu.memory_space<vmem>>, %arg2: memref<32x1xf32, #tpu.memory_space<vmem>>, %arg3: memref<10000x48xf32, #tpu.memory_space<vmem>>, %arg4: memref<48x128xf32, #tpu.memory_space<vmem>>, %arg5: memref<128x128xf32, #tpu.memory_space<vmem>>, %arg6: memref<1x128xf32, #tpu.memory_space<vmem>>, %arg7: memref<1x128xf32, #tpu.memory_space<vmem>>, %arg8: memref<1x128xf32, #tpu.memory_space<vmem>>, %arg9: memref<128x128xf32, #tpu.memory_space<vmem>>, %arg10: memref<1x128xf32, #tpu.memory_space<vmem>>, %arg11: memref<10000x128xf32, #tpu.memory_space<vmem>>) attributes {dimension_semantics = [], scalar_prefetch = 0 : i64, scratch_operands = 0 : i64, tpu.core_type = #tpu.core_type<tc>} {
    %get3A = arith.constant 0 : index
    %get3A_0 = arith.constant 0 : index
    %get3A_1 = vector.load %arg0[%get3A, %get3A_0] : memref<20480x128xf32, #tpu.memory_space<vmem>>, vector<10000x128xf32>
    %get3A_2 = arith.constant 10240 : index
    %get3A_3 = arith.constant 0 : index
    %get3A_4 = vector.load %arg0[%get3A_2, %get3A_3] : memref<20480x128xf32, #tpu.memory_space<vmem>>, vector<10000x128xf32>
    %add3A = arith.addf %get3A_1, %get3A_4 : vector<10000x128xf32>
    %get3A_5 = arith.constant 0 : index
    %get3A_6 = arith.constant 0 : index
    %get3A_7 = vector.load %arg1[%get3A_5, %get3A_6] : memref<32x10000xf32, #tpu.memory_space<vmem>>, vector<32x10000xf32>
    %get3A_8 = arith.constant 0 : index
    %get3A_9 = arith.constant 0 : index
    %get3A_10 = vector.load %arg2[%get3A_8, %get3A_9] : memref<32x1xf32, #tpu.memory_space<vmem>>, vector<32x1xf32>
    %dot_general3A = arith.constant dense<0.000000e+00> : vector<10000x1xf32>
    %dot_general3A_11 = tpu.matmul %get3A_7, %get3A_10, %dot_general3A {dimension_numbers = #tpu.dot_dimension_numbers<[0], [0], [1], [1], [0, 1, 1, 1], [], []>, precision = #tpu.contract_precision<fp32>, transpose_lhs_hint = false} : vector<32x10000xf32>, vector<32x1xf32>, vector<10000x1xf32> -> vector<10000x1xf32>
    %gt3A = arith.constant 0.000000e+00 : f32
    %gt3A_12 = vector.broadcast %gt3A : f32 to vector<10000x1xf32>
    %gt3A_13 = arith.cmpf ogt, %dot_general3A_11, %gt3A_12 : vector<10000x1xf32>
    %max3A = arith.constant 1.000000e+00 : f32
    %max3A_14 = vector.broadcast %max3A : f32 to vector<10000x1xf32>
    %max3A_15 = arith.maximumf %dot_general3A_11, %max3A_14 : vector<10000x1xf32>
    %div3A = vector.broadcast %max3A_15 : vector<10000x1xf32> to vector<10000x128xf32>
    %div3A_16 = arith.divf %add3A, %div3A : vector<10000x128xf32>
    %jit3A = arith.constant 0.000000e+00 : f32
    %broadcast_in_dim3A = vector.shape_cast %gt3A_13 : vector<10000x1xi1> to vector<10000x1xi1>
    %broadcast_in_dim3A_17 = vector.broadcast %broadcast_in_dim3A : vector<10000x1xi1> to vector<10000x128xi1>
    %broadcast_in_dim3A_18 = vector.broadcast %jit3A : f32 to vector<10000x128xf32>
    %select_n3A = arith.select %broadcast_in_dim3A_17, %div3A_16, %broadcast_in_dim3A_18 : vector<10000x128xi1>, vector<10000x128xf32>
    %get3A_19 = arith.constant 0 : index
    %get3A_20 = arith.constant 0 : index
    %get3A_21 = vector.load %arg3[%get3A_19, %get3A_20] : memref<10000x48xf32, #tpu.memory_space<vmem>>, vector<10000x48xf32>
    %get3A_22 = arith.constant 0 : index
    %get3A_23 = arith.constant 0 : index
    %get3A_24 = vector.load %arg4[%get3A_22, %get3A_23] : memref<48x128xf32, #tpu.memory_space<vmem>>, vector<48x128xf32>
    %dot_general3A_25 = arith.constant dense<0.000000e+00> : vector<10000x128xf32>
    %dot_general3A_26 = tpu.matmul %get3A_21, %get3A_24, %dot_general3A_25 {dimension_numbers = #tpu.dot_dimension_numbers<[1], [0], [0], [1], [0, 0, 1, 1], [], []>, transpose_lhs_hint = false} : vector<10000x48xf32>, vector<48x128xf32>, vector<10000x128xf32> -> vector<10000x128xf32>
    %get3A_27 = arith.constant 0 : index
    %get3A_28 = arith.constant 0 : index
    %get3A_29 = vector.load %arg5[%get3A_27, %get3A_28] : memref<128x128xf32, #tpu.memory_space<vmem>>, vector<128x128xf32>
    %dot_general3A_30 = arith.constant dense<0.000000e+00> : vector<10000x128xf32>
    %dot_general3A_31 = tpu.matmul %select_n3A, %get3A_29, %dot_general3A_30 {dimension_numbers = #tpu.dot_dimension_numbers<[1], [0], [0], [1], [0, 0, 1, 1], [], []>, transpose_lhs_hint = false} : vector<10000x128xf32>, vector<128x128xf32>, vector<10000x128xf32> -> vector<10000x128xf32>
    %add3A_32 = arith.addf %dot_general3A_26, %dot_general3A_31 : vector<10000x128xf32>
    %get3A_33 = arith.constant 0 : index
    %get3A_34 = arith.constant 0 : index
    %get3A_35 = vector.load %arg6[%get3A_33, %get3A_34] : memref<1x128xf32, #tpu.memory_space<vmem>>, vector<1x128xf32>
    %add3A_36 = vector.broadcast %get3A_35 : vector<1x128xf32> to vector<10000x128xf32>
    %add3A_37 = arith.addf %add3A_32, %add3A_36 : vector<10000x128xf32>
    %reduce_sum3A = arith.constant dense<0.000000e+00> : vector<128xf32>
    %reduce_sum3A_38 = vector.multi_reduction <add>, %add3A_37, %reduce_sum3A [0] : vector<10000x128xf32> to vector<128xf32>
    %broadcast_in_dim3A_39 = vector.shape_cast %reduce_sum3A_38 : vector<128xf32> to vector<1x128xf32>
    %div3A_40 = arith.constant 1.000000e+04 : f32
    %div3A_41 = vector.broadcast %div3A_40 : f32 to vector<1x128xf32>
    %div3A_42 = arith.divf %broadcast_in_dim3A_39, %div3A_41 : vector<1x128xf32>
    %sub3A = vector.broadcast %div3A_42 : vector<1x128xf32> to vector<10000x128xf32>
    %sub3A_43 = arith.subf %add3A_37, %sub3A : vector<10000x128xf32>
    %integer_pow3A = arith.mulf %sub3A_43, %sub3A_43 : vector<10000x128xf32>
    %reduce_sum3A_44 = arith.constant dense<0.000000e+00> : vector<128xf32>
    %reduce_sum3A_45 = vector.multi_reduction <add>, %integer_pow3A, %reduce_sum3A_44 [0] : vector<10000x128xf32> to vector<128xf32>
    %broadcast_in_dim3A_46 = vector.shape_cast %reduce_sum3A_45 : vector<128xf32> to vector<1x128xf32>
    %div3A_47 = arith.constant 1.000000e+04 : f32
    %div3A_48 = vector.broadcast %div3A_47 : f32 to vector<1x128xf32>
    %div3A_49 = arith.divf %broadcast_in_dim3A_46, %div3A_48 : vector<1x128xf32>
    %sub3A_50 = vector.broadcast %div3A_42 : vector<1x128xf32> to vector<10000x128xf32>
    %sub3A_51 = arith.subf %add3A_37, %sub3A_50 : vector<10000x128xf32>
    %add3A_52 = arith.constant 9.99999974E-6 : f32
    %add3A_53 = vector.broadcast %add3A_52 : f32 to vector<1x128xf32>
    %add3A_54 = arith.addf %div3A_49, %add3A_53 : vector<1x128xf32>
    %rsqrt3A = math.rsqrt %add3A_54 : vector<1x128xf32>
    %mul3A = vector.broadcast %rsqrt3A : vector<1x128xf32> to vector<10000x128xf32>
    %mul3A_55 = arith.mulf %sub3A_51, %mul3A : vector<10000x128xf32>
    %get3A_56 = arith.constant 0 : index
    %get3A_57 = arith.constant 0 : index
    %get3A_58 = vector.load %arg7[%get3A_56, %get3A_57] : memref<1x128xf32, #tpu.memory_space<vmem>>, vector<1x128xf32>
    %mul3A_59 = vector.broadcast %get3A_58 : vector<1x128xf32> to vector<10000x128xf32>
    %mul3A_60 = arith.mulf %mul3A_55, %mul3A_59 : vector<10000x128xf32>
    %get3A_61 = arith.constant 0 : index
    %get3A_62 = arith.constant 0 : index
    %get3A_63 = vector.load %arg8[%get3A_61, %get3A_62] : memref<1x128xf32, #tpu.memory_space<vmem>>, vector<1x128xf32>
    %add3A_64 = vector.broadcast %get3A_63 : vector<1x128xf32> to vector<10000x128xf32>
    %add3A_65 = arith.addf %mul3A_60, %add3A_64 : vector<10000x128xf32>
    %max3A_66 = arith.constant 0.000000e+00 : f32
    %max3A_67 = vector.broadcast %max3A_66 : f32 to vector<10000x128xf32>
    %max3A_68 = arith.maximumf %add3A_65, %max3A_67 : vector<10000x128xf32>
    %get3A_69 = arith.constant 0 : index
    %get3A_70 = arith.constant 0 : index
    %get3A_71 = vector.load %arg9[%get3A_69, %get3A_70] : memref<128x128xf32, #tpu.memory_space<vmem>>, vector<128x128xf32>
    %dot_general3A_72 = arith.constant dense<0.000000e+00> : vector<10000x128xf32>
    %dot_general3A_73 = tpu.matmul %max3A_68, %get3A_71, %dot_general3A_72 {dimension_numbers = #tpu.dot_dimension_numbers<[1], [0], [0], [1], [0, 0, 1, 1], [], []>, transpose_lhs_hint = false} : vector<10000x128xf32>, vector<128x128xf32>, vector<10000x128xf32> -> vector<10000x128xf32>
    %get3A_74 = arith.constant 0 : index
    %get3A_75 = arith.constant 0 : index
    %get3A_76 = vector.load %arg10[%get3A_74, %get3A_75] : memref<1x128xf32, #tpu.memory_space<vmem>>, vector<1x128xf32>
    %add3A_77 = vector.broadcast %get3A_76 : vector<1x128xf32> to vector<10000x128xf32>
    %add3A_78 = arith.addf %dot_general3A_73, %add3A_77 : vector<10000x128xf32>
    %swap3A = arith.constant 0 : index
    %swap3A_79 = arith.constant 0 : index
    %swap3A_80 = vector.load %arg11[%swap3A, %swap3A_79] : memref<10000x128xf32, #tpu.memory_space<vmem>>, vector<10000x128xf32>
    tpu.vector_store %arg11[%swap3A, %swap3A_79], %add3A_78 {strides = array<i32>} : memref<10000x128xf32, #tpu.memory_space<vmem>>, vector<10000x128xf32>,
    return
  }
}

</mosaic_0001>

<sc_bundles>
// kernel: kernel.12.cloned.1.call-start
scs
__scs_entry_jumppad:
0x0: {  	(pc) =	sbr.rel $0x88, $3  }
0x1: {  	(tag) =	ssettag $0x0;
	lr =	simm.s32 $0x1  }
0x2: {  	[smem:$0x3F92] =	sst lr;
	_ =	strace $0xD0000000  }
0x3: {  	_ = 	snop  }
0x4: {  	_ = 	snop  }
0x5: {  	_ = 	snop  }
0x6: {  	_ = 	snop  }
0x7: {  	_ = 	snop  }
__scs_overlays_trampoline_lowered:
0x8: {  	[smem:$0x3FA1] =	sst s0  }
0x9: {  	[smem:$0x3FA2] =	sst s1  }
0xa: {  	[smem:$0x3FA3] =	sst s2  }
0xb: {  	[smem:$0x3FA4] =	sst s3  }
0xc: {  	[smem:$0x3FA5] =	sst s4  }
0xd: {  	[smem:$0x3FA6] =	sst s5  }
0xe: {  	[smem:$0x3FA7] =	sst s6  }
0xf: {  	[smem:$0x3FA8] =	sst s7  }
0x10: {  	[smem:$0x3FA9] =	sst s8  }
0x11: {  	[smem:$0x3FAA] =	sst s9;
	s0 =	simm.s32 @!p0 $0x0  }
0x12: {  	s1 =	sld [smem:$0x3F90];
	s0 =	simm.s32 @p0 $0x1  }
0x13: {  	[smem:$0x3FAB] =	sst s0;
	s0 =	simm.s32 @!p1 $0x0  }
0x14: {  	s2 =	sld [smem:$0x3F8F];
	s0 =	simm.s32 @p1 $0x1  }
0x15: {  	[smem:$0x3FAC] =	sst s0;
	s0 =	simm.s32 @!p2 $0x0  }
0x16: {  	s3 =	sld [smem:$0x3FDB];
	s0 =	simm.s32 @p2 $0x1  }
0x17: {  	s4 =	simm.s32 $0x1BF5;
	[smem:$0x3FAE] =	sst s0  }
0x18: {  	s0 =	sld [smem:$0x3F91];
	_ =	swait.ge [sflag:s4], $0x0  }
0x19: {  	s7 =	sld [smem:$0x3F92]  }
0x1a: {  	s8 =	sadd.s32 $0xFFFFE003, lr  }
0x1b: {  	s9 =	sadd.s32 $0xFFFFFEF7, lr;
	s5 =	simm.s32 $0xFFFFFFFF;
	p2 =	slt.u32 s8, $0xFFFFF086  }
0x1c: {  	p1 =	slt.u32 s9, $0xF7A;
	s5 =	simm.s32 @!p2 $0x0  }
0x1d: {  	s5 =	simm.s32 @p1 $0x1;
	p0 =	seq.s32 s7, s2  }
0x1e: {  	s7 =	smul.u32 @!p0 $0xF7A, s2;
	p2 =	seq.s32 @!p0 s5, $0x0  }
0x1f: {  	s9 =	smul.u32 $0xF7A, s1;
	s8 =	simm.s32 @!p0 $0x1BF5;
	p2 =	por !p2, p0  }
0x20: {  	[sflag:s8] =	ssyncset.s32 @!p0 $0xFFFFF086;
	s6 =	sadd.s32 @!p0 s3, s7;
	s7 =	simm.s32 @!p0 $0x108  }
0x21: {  	s3 =	sadd.s32 s3, s9;
	s6 =	sadd.s32 @!p0 $0x88, s6;
	s7 =	simm.s32 @p2 $0x1082  }
0x22: {  	[simem:s7], [sflag:s8] =	dma.local @!p0 [hbm:s6], $0xF7A  }
0x23: {  	s9 =	sor.u32 $0xD0000000, s2;
	s6 =	simm.s32 $0x108;
	_ =	swait.ge @!p0 [sflag:s8], $0x0  }
0x24: {  	s3 =	sadd.s32 $0x88, s3;
	s6 =	simm.s32 @!p1 $0x1082;
	[sflag:s4] =	ssyncset.s32 $0xFFFFF086  }
0x25: {  	[simem:s6], [sflag:s4] =	dma.local [hbm:s3], $0xF7A  }
0x26: {  	[smem:$0x3F92] =	sst s1;
	(tag) =	ssettag s2;
	_ =	strace s9  }
0x27: {  	s1 =	sld [smem:$0x3FA2]  }
0x28: {  	s2 =	sld [smem:$0x3FA3]  }
0x29: {  	s4 =	sld [smem:$0x3FA5]  }
0x2a: {  	p0 =	seq.s32 s5, $0x0;
	s5 =	sld [smem:$0x3FA6]  }
0x2b: {  	s6 =	sld [smem:$0x3FA7]  }
0x2c: {  	s7 =	sld [smem:$0x3FA8]  }
0x2d: {  	s3 =	simm.s32 $0x108;
	s8 =	sld [smem:$0x3FA9]  }
0x2e: {  	s3 =	simm.s32 @!p0 $0x1082;
	s9 =	sld [smem:$0x3FAA]  }
0x2f: {  	lr =	sadd.s32 s0, s3;
	s0 =	sld [smem:$0x3FA1]  }
0x30: {  	s3 =	sld [smem:$0x3FA4]  }
0x31: {  	[smem:$0x3FAD] =	sst s10  }
0x32: {  	s10 =	sld [smem:$0x3FAB];
	_ =	sdelay $0x3  }
0x33: {  	p0 =	seq.s32 s10, $0x1;
	s10 =	sld [smem:$0x3FAD];
	_ =	sdelay $0x3  }
0x34: {  	[smem:$0x3FAD] =	sst s10  }
0x35: {  	s10 =	sld [smem:$0x3FAC];
	_ =	sdelay $0x3  }
0x36: {  	p1 =	seq.s32 s10, $0x1;
	s10 =	sld [smem:$0x3FAD];
	_ =	sdelay $0x3  }
0x37: {  	[smem:$0x3FAD] =	sst s10  }
0x38: {  	s10 =	sld [smem:$0x3FAE]  }
0x39: {  	_ = 	snop;
	(pc) =	sbr.ind lr, $3  }
0x3a: {  	_ = 	snop  }
0x3b: {  	_ = 	snop  }
0x3c: {  	p2 =	seq.s32 s10, $0x1;
	s10 =	sld [smem:$0x3FAD]  }
0x3d: {  	_ =	shalt  }
0x3e: {  	_ =	shalt  }
0x3f: {  	_ =	shalt  }
0x40: {  	_ =	shalt  }
0x41: {  	_ =	shalt  }
0x42: {  	_ =	shalt  }
0x43: {  	_ =	shalt  }
0x44: {  	_ =	shalt  }
0x45: {  	_ =	shalt  }
0x46: {  	_ =	shalt  }
0x47: {  	_ =	shalt  }
0x48: {  	_ =	shalt  }
0x49: {  	_ =	shalt  }
0x4a: {  	_ =	shalt  }
0x4b: {  	_ =	shalt  }
0x4c: {  	_ =	shalt  }
0x4d: {  	_ =	shalt  }
0x4e: {  	_ =	shalt  }
0x4f: {  	_ =	shalt  }
0x50: {  	_ =	shalt  }
0x51: {  	_ =	shalt  }
0x52: {  	_ =	shalt  }
0x53: {  	_ =	shalt  }
0x54: {  	_ =	shalt  }
0x55: {  	_ =	shalt  }
0x56: {  	_ =	shalt  }
0x57: {  	_ =	shalt  }
0x58: {  	_ =	shalt  }
0x59: {  	_ =	shalt  }
0x5a: {  	_ =	shalt  }
0x5b: {  	_ =	shalt  }
0x5c: {  	_ =	shalt  }
0x5d: {  	_ =	shalt  }
0x5e: {  	_ =	shalt  }
0x5f: {  	_ =	shalt  }
0x60: {  	_ =	shalt  }
0x61: {  	_ =	shalt  }
0x62: {  	_ =	shalt  }
0x63: {  	_ =	shalt  }
0x64: {  	_ =	shalt  }
0x65: {  	_ =	shalt  }
0x66: {  	_ =	shalt  }
0x67: {  	_ =	shalt  }
0x68: {  	_ =	shalt  }
0x69: {  	_ =	shalt  }
0x6a: {  	_ =	shalt  }
0x6b: {  	_ =	shalt  }
0x6c: {  	_ =	shalt  }
0x6d: {  	_ =	shalt  }
0x6e: {  	_ =	shalt  }
0x6f: {  	_ =	shalt  }
0x70: {  	_ =	shalt  }
0x71: {  	_ =	shalt  }
0x72: {  	_ =	shalt  }
0x73: {  	_ =	shalt  }
0x74: {  	_ =	shalt  }
0x75: {  	_ =	shalt  }
0x76: {  	_ =	shalt  }
0x77: {  	_ =	shalt  }
0x78: {  	_ =	shalt  }
0x79: {  	_ =	shalt  }
0x7a: {  	_ =	shalt  }
0x7b: {  	_ =	shalt  }
0x7c: {  	_ =	shalt  }
0x7d: {  	_ =	shalt  }
0x7e: {  	_ =	shalt  }
0x7f: {  	_ =	shalt  }
0x80: {  	_ =	shalt  }
0x81: {  	_ =	shalt  }
0x82: {  	_ =	shalt  }
0x83: {  	_ =	shalt  }
0x84: {  	_ =	shalt  }
0x85: {  	_ =	shalt  }
0x86: {  	_ =	shalt  }
0x87: {  	_ =	shalt  }
.Lfunc_end0:
.L_simem_size_0:
called_computation.1_lowered:
.L_overlay_start_0:
0x88: {  	s2 =	sld [smem:$0x3FD9]  }
0x89: {  	s3 =	sld [smem:$0x3FFE];
	_ =	sdelay $0x1  }
0x8a: {  	s1 =	srdreg.scid  }
0x8b: {  	s0 =	sand.u32 $0x1, s1  }
0x8c: {  	s17 =	sshll.u32 s0, $0xA;
	s2 =	sadd.s32 s3, s2  }
0x8d: {  	s2 =	sadd.s32 s2, s17  }
0x8e: {  	[smem:$0x3FB9] =	sst s2  }
0x8f: {  	_ = 	snop  }
0x90: {  	s2 =	sld [smem:$0x3FD0];
	(tm) =	ssettm $0x1  }
0x91: {  	s18 =	sld [smem:$0x3FFB];
	_ =	sdelay $0x3  }
0x92: {  	_ =	strace s18  }
0x93: {  	s3 =	sld [smem:$0x3FFC];
	_ =	sdelay $0x3  }
0x94: {  	_ =	strace s3  }
0x95: {  	s3 =	sld [smem:$0x3FFD];
	_ =	sdelay $0x3  }
0x96: {  	_ =	strace s3  }
0x97: {  	_ =	strace $0x8FFFFFFF  }
0x98: {  	s19 =	sld [smem:$0x3FDB];
	_ =	sdelay $0x1  }
0x99: {  	s4 =	simm.s32 $_scs_section_size  }
0x9a: {  	s5 =	simm.s32 $_size__tile_overlayer_lowered;
	s6 =	simm.s32 $_tile_overlayer_lowered  }
0x9b: {  	s22 =	simm.s32 $0x1BFF;
	s21 =	sshll.u32 s6, $0x1;
	s3 =	sadd.s32 s4, s19  }
0x9c: {  	s7 =	simm.s32 $0x0;
	s20 =	sshll.u32 s5, $0x1;
	s5 =	sadd.s32 s21, s3  }
0x9d: {  	[timem:s7], [sflag:s22] =	dma.local [hbm:s5], s20  }
0x9e: {  	_ =	swait.ge [sflag:s22], s20  }
0x9f: {  	s4 =	ssub.s32 $0x0, s20;
	[sflag:s22] =	ssyncset.done $0x0  }
0xa0: {  	[sflag:s22] =	ssyncadd.s32 s4;
	_ =	sdelay $0x1  }
0xa1: {  	s23 =	simm.s32 $0x1B8B  }
0xa2: {  	_ =	swait.ge [sflag:s23], $0x1  }
0xa3: {  	[sflag:s23] =	ssyncset.done $0x0  }
0xa4: {  	s25 =	simm.s32 $0x1B8E;
	s24 =	sld [smem:$0x3FFE];
	[sflag:s23] =	ssyncadd.s32 $0xFFFFFFFF  }
0xa5: {  	s26 =	simm.s32 $execute0_lowered;
	[smem:$0x3FD2] =	sst s25  }
0xa6: {  	s5 =	sshll.u32 s26, $0x1;
	_ =	strace $0x80000046;
	[dreg:$0x1] =	wrdreg $0xFFFFFFFF  }
0xa7: {  	s28 =	simm.s32 $_size_execute0_lowered;
	s3 =	sadd.s32 s3, s5;
	[dreg:$0x0] =	wrdreg $0x0  }
0xa8: {  	s5 =	sshll.u32 s28, $0x1;
	[dreg:$0x2] =	wrdreg s3  }
0xa9: {  	[dreg:$0x3] =	wrdreg s5  }
0xaa: {  	[dreg:$0x4] =	wrdreg $0xC0  }
0xab: {  	_ =	task [dreg:s7], $0x5FFFF  }
0xac: {  	[dreg:$0x1] =	wrdreg $0xFFFFFFFF  }
0xad: {  	[dreg:$0x0] =	wrdreg $0x60  }
0xae: {  	[dreg:$0x2] =	wrdreg s2  }
0xaf: {  	[dreg:$0x3] =	wrdreg s24  }
0xb0: {  	[dreg:$0x4] =	wrdreg $0xA  }
0xb1: {  	_ =	task.clear_ibuf [dreg:s7], $0x5FFFF;
	_ =	strace $0x90000046  }
0xb2: {  	s29 =	simm.s32 $0xA;
	_ =	strace $0x80000048  }
0xb3: {  	_ =	swait.ge [sflag:s29], $0x1  }
0xb4: {  	[sflag:s29] =	ssyncadd.s32 $0xFFFFFFFF  }
0xb5: {  	_ =	strace $0x90000048  }
0xb6: {  	_ =	sfence  }
0xb7: {  	s30 =	sld [smem:$0x0];
	_ =	sdelay $0x2  }
0xb8: {  	s31 =	sshll.u32 s1, $0xD;
	s1 =	sshrl.u32 s1, $0x2  }
0xb9: {  	s3 =	sand.u32 $0x4000, s31;
	s1 =	sadd.s32 s1, s30  }
0xba: {  	s0 =	sor.u32 s3, s0;
	s1 =	sshll.u32 s1, $0x11  }
0xbb: {  	s0 =	sor.u32 s1, s0  }
0xbc: {  	s0 =	sadd.s32 $0x8F2B, s0  }
0xbd: {  	[sflag:s0] =	ssyncadd.remote.s32 $0x1  }
0xbe: {  	_ =	sfence.sel $0xFFFF  }
0xbf: {  	[dreg:$0x0] =	wrdreg $0xFFFFFFFF;
	(pc) =	sbr.abs _section_cstart, $3  }
0xc0: {  	[dreg:$0x1] =	wrdreg $0xFFFFFFFF  }
0xc1: {  	_ =	task.clear_ibuf [dreg:s7], $0x2FFFF;
	_ =	strace $0x9FFFFFFF  }
0xc2: {  	(tm) =	ssettm $0x7FFFFFFF  }
0xc3: {  	_ =	shalt  }
tec
execute0_lowered:
.L_overlay_start_1:
0x0: {  	(tag) =	ssettag $0x1  }
0x1: {  	s1 =	rddreg [dreg:$0x0]  }
0x2: {  	s4 =	rddreg [dreg:$0x1]  }
0x3: {  	s0 =	rddreg [dreg:$0x2];
	s3 =	simm.s32 $0x0;
	s5 =	srdreg.scid  }
0x4: {  	s2 =	stileid.u32;
	s18 =	simm.s32 $0x2;
	s19 =	simm.s32 $0xCC00  }
0x5: {  	s20 =	simm.s32 $0x3;
	s21 =	simm.s32 $0x5;
	s14 =	smul.u32 $0x4E20, s2  }
0x6: {  	s22 =	simm.s32 $0x4;
	s11 =	sand.u32 $0x1, s5;
	s30 =	smul.u32 $0x4E200, s2  }
0x7: {  	s23 =	simm.s32 $0x0;
	s24 =	sshll.u32 s2, $0x1;
	s15 =	smul.u32 $0x2710, s11  }
0x8: {  	[smem:$0x7FF] =	sst s3;
	s5 =	sor.u32 s11, s24;
	s17 =	smul.u32 $0x27100, s11  }
0x9: {  	s12 =	sadd.s32 $0x29A00, s4;
	s6 =	ssub.s32 $0x2, s11;
	s7 =	smul.u32 $0x138800, s5  }
0xa: {  	s13 =	sadd.s32 $0x3D600, s4;
	s25 =	sshrl.u32 s6, $0x1;
	s8 =	smul.u32 $0x2710, s5  }
0xb: {  	_ =	strace $0x80000047;
	s10 =	smul.u32 $0x27100, s5;
	s9 =	ssub.s32 s6, s25  }
0xc: {  	s14 =	sadd.s32 s15, s14;
	s15 =	simm.s32 $0x190;
	s26 =	sshrl.u32 s7, $0x3  }
0xd: {  	s28 =	sshrl.u32 s8, $0x3;
	s7 =	smax.u32 s9, $0x1;
	s9 =	sadd.s32 s13, s10  }
0xe: {  	s16 =	sadd.s32 $0x4B0, s14;
	s14 =	sadd.s32 $0x640, s14;
	s29 =	sadd.s32 s13, s26  }
0xf: {  	s4 =	sadd.s32 s12, s28;
	s31 =	sshrl.u32 s16, $0x3;
	s13 =	sadd.s32 s30, s13  }
0x10: {  	s14 =	sshrl.u32 s14, $0x3;
	s16 =	simm.s32 $0x400;
	s5 =	sadd.s32 $0x23F00, s29  }
0x11: {  	s6 =	sadd.s32 $0x25800, s29;
	s8 =	sadd.s32 $0x32, s4;
	s10 =	sadd.s32 $0x64, s4  }
0x12: {  	s11 =	sadd.s32 s31, s12;
	s13 =	sadd.s32 s17, s13;
	s12 =	sadd.s32 s14, s12  }
0x13: {  	s14 =	simm.s32 $0x1;
	s17 =	simm.s32 $0x200;
	s13 =	sadd.s32 $0x1900, s13  }
.LBB2_1:
0x14: {  	[tilespmem:s3], [sflag:$0x1] =	stream.linear.gather [hbm4b:s4+s3], $0x190, $0x38;
	[tilespmem:$0x19400] =	vst v63  }
0x15: {  	_ =	swait.ge [sflag:s14], $0x190  }
0x16: {  	[sflag:s14] =	ssyncset.done $0x0  }
0x17: {  	[sflag:s14] =	ssyncadd.s32 $0xFFFFFE70  }
0x18: {  	[tilespmem:s16], [sflag:$0x3] =	stream.indirect.gather [hbm4b:s1+s15], $0x80, s3, s15, $0xb8;
	[tilespmem:$0x19400] =	vst v63  }
0x19: {  	_ = 	snop  }
0x1a: {  	[tilespmem:s17], [sflag:$0x2] =	stream.linear.gather [hbm4b:s8+s3], $0x190, $0x38;
	[tilespmem:$0x19400] =	vst v63  }
0x1b: {  	_ =	swait.ge [sflag:s18], $0x190  }
0x1c: {  	[sflag:s18] =	ssyncset.done $0x0  }
0x1d: {  	[sflag:s18] =	ssyncadd.s32 $0xFFFFFE70  }
0x1e: {  	[tilespmem:s19], [sflag:$0x4] =	stream.indirect.gather [hbm4b:s1+s15], $0x80, s17, s15, $0xb8;
	[tilespmem:$0x19400] =	vst v63  }
0x1f: {  	_ =	swait.ge [sflag:s20], $0xC800  }
0x20: {  	[sflag:s20] =	ssyncset.done $0x0  }
0x21: {  	[sflag:s20] =	ssyncadd.s32 $0xFFFF3800  }
0x22: {  	[hbm4b:s9+s3] =	stream.linear.scatter [tilespmem:s16], [sflag:$0x5], $0xC800, $0x38;
	[tilespmem:$0x19400] =	vst v63  }
0x23: {  	_ =	swait.ge [sflag:s21], $0xC800  }
0x24: {  	[sflag:s21] =	ssyncset.done $0x0  }
0x25: {  	[sflag:s21] =	ssyncadd.s32 $0xFFFF3800  }
0x26: {  	[tilespmem:s3], [sflag:$0x1] =	stream.linear.gather [hbm4b:s10+s3], $0x190, $0x38;
	[tilespmem:$0x19400] =	vst v63  }
0x27: {  	_ =	swait.ge [sflag:s14], $0x190  }
0x28: {  	[sflag:s14] =	ssyncset.done $0x0  }
0x29: {  	[sflag:s14] =	ssyncadd.s32 $0xFFFFFE70  }
0x2a: {  	[tilespmem:s16], [sflag:$0x3] =	stream.indirect.gather [hbm4b:s1+s15], $0x80, s3, s15, $0xb8;
	[tilespmem:$0x19400] =	vst v63  }
0x2b: {  	_ =	swait.ge [sflag:s22], $0xC800  }
0x2c: {  	[sflag:s22] =	ssyncset.done $0x0  }
0x2d: {  	[sflag:s22] =	ssyncadd.s32 $0xFFFF3800  }
0x2e: {  	[hbm4b:s13+s3] =	stream.linear.scatter [tilespmem:s19], [sflag:$0x5], $0xC800, $0x38;
	[tilespmem:$0x19400] =	vst v63  }
0x2f: {  	_ =	swait.ge [sflag:s21], $0xC800  }
0x30: {  	[sflag:s21] =	ssyncset.done $0x0  }
0x31: {  	s24 =	sadd.s32 $0x0, s11;
	[sflag:s21] =	ssyncadd.s32 $0xFFFF3800  }
0x32: {  	[tilespmem:s17], [sflag:$0x2] =	stream.linear.gather [hbm4b:s24+s3], $0x190, $0x38;
	[tilespmem:$0x19400] =	vst v63  }
0x33: {  	_ =	swait.ge [sflag:s18], $0x190  }
0x34: {  	[sflag:s18] =	ssyncset.done $0x0  }
0x35: {  	[sflag:s18] =	ssyncadd.s32 $0xFFFFFE70  }
0x36: {  	[tilespmem:s19], [sflag:$0x4] =	stream.indirect.gather [hbm4b:s1+s15], $0x80, s17, s15, $0xb8;
	[tilespmem:$0x19400] =	vst v63  }
0x37: {  	_ =	swait.ge [sflag:s20], $0xC800  }
0x38: {  	[sflag:s20] =	ssyncset.done $0x0  }
0x39: {  	s31 =	sadd.s32 $0x1900, s13;
	[sflag:s20] =	ssyncadd.s32 $0xFFFF3800  }
0x3a: {  	[hbm4b:s31+s3] =	stream.linear.scatter [tilespmem:s16], [sflag:$0x5], $0xC800, $0x38;
	[tilespmem:$0x19400] =	vst v63  }
0x3b: {  	_ =	swait.ge [sflag:s21], $0xC800  }
0x3c: {  	s26 =	sadd.s32 $0x0, s12;
	[sflag:s21] =	ssyncset.done $0x0  }
0x3d: {  	s25 =	sadd.s32 $0x3200, s13;
	s24 =	simm.s32 $0x64;
	[sflag:s21] =	ssyncadd.s32 $0xFFFF3800  }
.LBB2_2:
0x3e: {  	[tilespmem:s3], [sflag:$0x1] =	stream.linear.gather [hbm4b:s26+s3], $0x190, $0x38;
	[tilespmem:$0x19400] =	vst v63  }
0x3f: {  	s26 =	smov.u32 s24  }
0x40: {  	p0 =	sne.s32 s24, $0x3E8;
	s24 =	sadd.s32 $0x64, s24;
	_ =	swait.ge [sflag:s14], $0x190  }
0x41: {  	[sflag:s14] =	ssyncset.done $0x0  }
0x42: {  	[sflag:s14] =	ssyncadd.s32 $0xFFFFFE70  }
0x43: {  	[tilespmem:s16], [sflag:$0x3] =	stream.indirect.gather [hbm4b:s1+s15], $0x80, s3, s15, $0xb8;
	[tilespmem:$0x19400] =	vst v63  }
0x44: {  	_ =	swait.ge [sflag:s22], $0xC800  }
0x45: {  	[sflag:s22] =	ssyncset.done $0x0  }
0x46: {  	[sflag:s22] =	ssyncadd.s32 $0xFFFF3800  }
0x47: {  	[hbm4b:s25+s3] =	stream.linear.scatter [tilespmem:s19], [sflag:$0x5], $0xC800, $0x38;
	[tilespmem:$0x19400] =	vst v63  }
0x48: {  	_ =	swait.ge [sflag:s21], $0xC800  }
0x49: {  	[sflag:s21] =	ssyncset.done $0x0  }
0x4a: {  	s28 =	sadd.s32 s26, s11;
	[sflag:s21] =	ssyncadd.s32 $0xFFFF3800  }
0x4b: {  	[tilespmem:s17], [sflag:$0x2] =	stream.linear.gather [hbm4b:s28+s3], $0x190, $0x38;
	[tilespmem:$0x19400] =	vst v63  }
0x4c: {  	_ =	swait.ge [sflag:s18], $0x190  }
0x4d: {  	[sflag:s18] =	ssyncset.done $0x0  }
0x4e: {  	[sflag:s18] =	ssyncadd.s32 $0xFFFFFE70  }
0x4f: {  	[tilespmem:s19], [sflag:$0x4] =	stream.indirect.gather [hbm4b:s1+s15], $0x80, s17, s15, $0xb8;
	[tilespmem:$0x19400] =	vst v63  }
0x50: {  	_ =	swait.ge [sflag:s20], $0xC800  }
0x51: {  	[sflag:s20] =	ssyncset.done $0x0  }
.Ltmp0:
0x52: {  	s28 =	sadd.s32 $0x1900, s25;
	[sflag:s20] =	ssyncadd.s32 $0xFFFF3800;
	(pc) =	sbr.rel @p0 .LBB2_2-.Ltmp0, $4  }
0x53: {  	[hbm4b:s28+s3] =	stream.linear.scatter [tilespmem:s16], [sflag:$0x5], $0xC800, $0x38;
	[tilespmem:$0x19400] =	vst v63  }
0x54: {  	_ =	swait.ge [sflag:s21], $0xC800  }
0x55: {  	[sflag:s21] =	ssyncset.done $0x0  }
0x56: {  	s26 =	sadd.s32 s26, s12;
	s25 =	sadd.s32 $0x3200, s25;
	[sflag:s21] =	ssyncadd.s32 $0xFFFF3800  }
0x57: {  	[tilespmem:s3], [sflag:$0x1] =	stream.linear.gather [hbm4b:s26+s3], $0x190, $0x38;
	[tilespmem:$0x19400] =	vst v63  }
0x58: {  	_ =	swait.ge [sflag:s14], $0x190  }
0x59: {  	[sflag:s14] =	ssyncset.done $0x0  }
0x5a: {  	[sflag:s14] =	ssyncadd.s32 $0xFFFFFE70  }
0x5b: {  	[tilespmem:s16], [sflag:$0x3] =	stream.indirect.gather [hbm4b:s1+s15], $0x80, s3, s15, $0xb8;
	[tilespmem:$0x19400] =	vst v63  }
0x5c: {  	_ =	swait.ge [sflag:s22], $0xC800  }
0x5d: {  	[sflag:s22] =	ssyncset.done $0x0  }
0x5e: {  	[sflag:s22] =	ssyncadd.s32 $0xFFFF3800  }
0x5f: {  	[hbm4b:s5+s3] =	stream.linear.scatter [tilespmem:s19], [sflag:$0x5], $0xC800, $0x38;
	[tilespmem:$0x19400] =	vst v63  }
0x60: {  	_ =	swait.ge [sflag:s21], $0xC800  }
0x61: {  	[sflag:s21] =	ssyncset.done $0x0  }
0x62: {  	[sflag:s21] =	ssyncadd.s32 $0xFFFF3800  }
0x63: {  	s23 =	sadd.s32 $0x1, s23;
	_ =	swait.ge [sflag:s20], $0xC800  }
0x64: {  	p0 =	sne.s32 s23, s7;
	[sflag:s20] =	ssyncset.done $0x0  }
.Ltmp1:
0x65: {  	[sflag:s20] =	ssyncadd.s32 $0xFFFF3800;
	(pc) =	sbr.rel @p0 .LBB2_1-.Ltmp1, $4  }
0x66: {  	[hbm4b:s6+s3] =	stream.linear.scatter [tilespmem:s16], [sflag:$0x5], $0xC800, $0x38;
	[tilespmem:$0x19400] =	vst v63  }
0x67: {  	_ =	swait.ge [sflag:s21], $0xC800  }
0x68: {  	[sflag:s21] =	ssyncset.done $0x0  }
0x69: {  	[sflag:s21] =	ssyncadd.s32 $0xFFFF3800  }
0x6a: {  	_ =	sfence.sel $0x180000  }
0x6b: {  	[bflag:$0x0] =	sbarrier.arrive $0xFFFF  }
0x6c: {  	p0 =	sne.s32 s2, $0x0;
	_ =	strace $0x90000047  }
0x6d: {  	s0 =	sadd.s32 @!p0 $0x100000, s0;
	[bflag:$0x2] =	sbarrier.arrive $0xFFFF  }
0x6e: {  	[sflag:s0] =	ssyncadd.tile.s32 @!p0 $0x1;
	_ =	shalt  }
.Lfunc_end2:
_tile_overlayer_lowered:
.L_overlay_start_2:
0x6f: {  	(tag) =	ssettag $0x2  }
0x70: {  	s0 =	rddreg [dreg:$0x0];
	s2 =	stileid.u32  }
0x71: {  	s1 =	rddreg [dreg:$0x1];
	p0 =	sne.s32 s2, $0x0  }
0x72: {  	s3 =	rddreg [dreg:$0x2];
	[bflag:$0x3] =	sbarrier.arrive $0xFFFF;
	s2 =	simm.s32 @!p0 $0x1C05  }
0x73: {  	[timem:s3], [sflag:s2] =	dma.local @!p0 [hbm:s0], s1  }
0x74: {  	s0 =	simm.s32 @!p0 $0x5  }
0x75: {  	_ =	swait.ge @!p0 [sflag:s0], s1  }
0x76: {  	s1 =	ssub.s32 @!p0 $0x0, s1;
	[sflag:s0] =	ssyncset.done @!p0 $0x0  }
0x77: {  	[sflag:s0] =	ssyncadd.s32 @!p0 s1  }
0x78: {  	[bflag:$0x3] =	sbarrier.arrive $0xFFFF  }
0x79: {  	_ =	shalt  }

// kernel: kernel.15.cloned.1.call-start
scs
__scs_entry_jumppad:
0x0: {  	(pc) =	sbr.rel $0x88, $3  }
0x1: {  	(tag) =	ssettag $0x0;
	lr =	simm.s32 $0x1  }
0x2: {  	[smem:$0x3F92] =	sst lr;
	_ =	strace $0xD0000000  }
0x3: {  	_ = 	snop  }
0x4: {  	_ = 	snop  }
0x5: {  	_ = 	snop  }
0x6: {  	_ = 	snop  }
0x7: {  	_ = 	snop  }
__scs_overlays_trampoline_lowered:
0x8: {  	[smem:$0x3FA1] =	sst s0  }
0x9: {  	[smem:$0x3FA2] =	sst s1  }
0xa: {  	[smem:$0x3FA3] =	sst s2  }
0xb: {  	[smem:$0x3FA4] =	sst s3  }
0xc: {  	[smem:$0x3FA5] =	sst s4  }
0xd: {  	[smem:$0x3FA6] =	sst s5  }
0xe: {  	[smem:$0x3FA7] =	sst s6  }
0xf: {  	[smem:$0x3FA8] =	sst s7  }
0x10: {  	[smem:$0x3FA9] =	sst s8  }
0x11: {  	[smem:$0x3FAA] =	sst s9;
	s0 =	simm.s32 @!p0 $0x0  }
0x12: {  	s1 =	sld [smem:$0x3F90];
	s0 =	simm.s32 @p0 $0x1  }
0x13: {  	[smem:$0x3FAB] =	sst s0;
	s0 =	simm.s32 @!p1 $0x0  }
0x14: {  	s2 =	sld [smem:$0x3F8F];
	s0 =	simm.s32 @p1 $0x1  }
0x15: {  	[smem:$0x3FAC] =	sst s0;
	s0 =	simm.s32 @!p2 $0x0  }
0x16: {  	s3 =	sld [smem:$0x3FDB];
	s0 =	simm.s32 @p2 $0x1  }
0x17: {  	s4 =	simm.s32 $0x1BF5;
	[smem:$0x3FAE] =	sst s0  }
0x18: {  	s0 =	sld [smem:$0x3F91];
	_ =	swait.ge [sflag:s4], $0x0  }
0x19: {  	s7 =	sld [smem:$0x3F92]  }
0x1a: {  	s8 =	sadd.s32 $0xFFFFE003, lr  }
0x1b: {  	s9 =	sadd.s32 $0xFFFFFEF7, lr;
	s5 =	simm.s32 $0xFFFFFFFF;
	p2 =	slt.u32 s8, $0xFFFFF086  }
0x1c: {  	p1 =	slt.u32 s9, $0xF7A;
	s5 =	simm.s32 @!p2 $0x0  }
0x1d: {  	s5 =	simm.s32 @p1 $0x1;
	p0 =	seq.s32 s7, s2  }
0x1e: {  	s7 =	smul.u32 @!p0 $0xF7A, s2;
	p2 =	seq.s32 @!p0 s5, $0x0  }
0x1f: {  	s9 =	smul.u32 $0xF7A, s1;
	s8 =	simm.s32 @!p0 $0x1BF5;
	p2 =	por !p2, p0  }
0x20: {  	[sflag:s8] =	ssyncset.s32 @!p0 $0xFFFFF086;
	s6 =	sadd.s32 @!p0 s3, s7;
	s7 =	simm.s32 @!p0 $0x108  }
0x21: {  	s3 =	sadd.s32 s3, s9;
	s6 =	sadd.s32 @!p0 $0x88, s6;
	s7 =	simm.s32 @p2 $0x1082  }
0x22: {  	[simem:s7], [sflag:s8] =	dma.local @!p0 [hbm:s6], $0xF7A  }
0x23: {  	s9 =	sor.u32 $0xD0000000, s2;
	s6 =	simm.s32 $0x108;
	_ =	swait.ge @!p0 [sflag:s8], $0x0  }
0x24: {  	s3 =	sadd.s32 $0x88, s3;
	s6 =	simm.s32 @!p1 $0x1082;
	[sflag:s4] =	ssyncset.s32 $0xFFFFF086  }
0x25: {  	[simem:s6], [sflag:s4] =	dma.local [hbm:s3], $0xF7A  }
0x26: {  	[smem:$0x3F92] =	sst s1;
	(tag) =	ssettag s2;
	_ =	strace s9  }
0x27: {  	s1 =	sld [smem:$0x3FA2]  }
0x28: {  	s2 =	sld [smem:$0x3FA3]  }
0x29: {  	s4 =	sld [smem:$0x3FA5]  }
0x2a: {  	p0 =	seq.s32 s5, $0x0;
	s5 =	sld [smem:$0x3FA6]  }
0x2b: {  	s6 =	sld [smem:$0x3FA7]  }
0x2c: {  	s7 =	sld [smem:$0x3FA8]  }
0x2d: {  	s3 =	simm.s32 $0x108;
	s8 =	sld [smem:$0x3FA9]  }
0x2e: {  	s3 =	simm.s32 @!p0 $0x1082;
	s9 =	sld [smem:$0x3FAA]  }
0x2f: {  	lr =	sadd.s32 s0, s3;
	s0 =	sld [smem:$0x3FA1]  }
0x30: {  	s3 =	sld [smem:$0x3FA4]  }
0x31: {  	[smem:$0x3FAD] =	sst s10  }
0x32: {  	s10 =	sld [smem:$0x3FAB];
	_ =	sdelay $0x3  }
0x33: {  	p0 =	seq.s32 s10, $0x1;
	s10 =	sld [smem:$0x3FAD];
	_ =	sdelay $0x3  }
0x34: {  	[smem:$0x3FAD] =	sst s10  }
0x35: {  	s10 =	sld [smem:$0x3FAC];
	_ =	sdelay $0x3  }
0x36: {  	p1 =	seq.s32 s10, $0x1;
	s10 =	sld [smem:$0x3FAD];
	_ =	sdelay $0x3  }
0x37: {  	[smem:$0x3FAD] =	sst s10  }
0x38: {  	s10 =	sld [smem:$0x3FAE]  }
0x39: {  	_ = 	snop;
	(pc) =	sbr.ind lr, $3  }
0x3a: {  	_ = 	snop  }
0x3b: {  	_ = 	snop  }
0x3c: {  	p2 =	seq.s32 s10, $0x1;
	s10 =	sld [smem:$0x3FAD]  }
0x3d: {  	_ =	shalt  }
0x3e: {  	_ =	shalt  }
0x3f: {  	_ =	shalt  }
0x40: {  	_ =	shalt  }
0x41: {  	_ =	shalt  }
0x42: {  	_ =	shalt  }
0x43: {  	_ =	shalt  }
0x44: {  	_ =	shalt  }
0x45: {  	_ =	shalt  }
0x46: {  	_ =	shalt  }
0x47: {  	_ =	shalt  }
0x48: {  	_ =	shalt  }
0x49: {  	_ =	shalt  }
0x4a: {  	_ =	shalt  }
0x4b: {  	_ =	shalt  }
0x4c: {  	_ =	shalt  }
0x4d: {  	_ =	shalt  }
0x4e: {  	_ =	shalt  }
0x4f: {  	_ =	shalt  }
0x50: {  	_ =	shalt  }
0x51: {  	_ =	shalt  }
0x52: {  	_ =	shalt  }
0x53: {  	_ =	shalt  }
0x54: {  	_ =	shalt  }
0x55: {  	_ =	shalt  }
0x56: {  	_ =	shalt  }
0x57: {  	_ =	shalt  }
0x58: {  	_ =	shalt  }
0x59: {  	_ =	shalt  }
0x5a: {  	_ =	shalt  }
0x5b: {  	_ =	shalt  }
0x5c: {  	_ =	shalt  }
0x5d: {  	_ =	shalt  }
0x5e: {  	_ =	shalt  }
0x5f: {  	_ =	shalt  }
0x60: {  	_ =	shalt  }
0x61: {  	_ =	shalt  }
0x62: {  	_ =	shalt  }
0x63: {  	_ =	shalt  }
0x64: {  	_ =	shalt  }
0x65: {  	_ =	shalt  }
0x66: {  	_ =	shalt  }
0x67: {  	_ =	shalt  }
0x68: {  	_ =	shalt  }
0x69: {  	_ =	shalt  }
0x6a: {  	_ =	shalt  }
0x6b: {  	_ =	shalt  }
0x6c: {  	_ =	shalt  }
0x6d: {  	_ =	shalt  }
0x6e: {  	_ =	shalt  }
0x6f: {  	_ =	shalt  }
0x70: {  	_ =	shalt  }
0x71: {  	_ =	shalt  }
0x72: {  	_ =	shalt  }
0x73: {  	_ =	shalt  }
0x74: {  	_ =	shalt  }
0x75: {  	_ =	shalt  }
0x76: {  	_ =	shalt  }
0x77: {  	_ =	shalt  }
0x78: {  	_ =	shalt  }
0x79: {  	_ =	shalt  }
0x7a: {  	_ =	shalt  }
0x7b: {  	_ =	shalt  }
0x7c: {  	_ =	shalt  }
0x7d: {  	_ =	shalt  }
0x7e: {  	_ =	shalt  }
0x7f: {  	_ =	shalt  }
0x80: {  	_ =	shalt  }
0x81: {  	_ =	shalt  }
0x82: {  	_ =	shalt  }
0x83: {  	_ =	shalt  }
0x84: {  	_ =	shalt  }
0x85: {  	_ =	shalt  }
0x86: {  	_ =	shalt  }
0x87: {  	_ =	shalt  }
.Lfunc_end0:
.L_simem_size_0:
called_computation.2_lowered:
.L_overlay_start_0:
0x88: {  	s2 =	sld [smem:$0x3FD9]  }
0x89: {  	s3 =	sld [smem:$0x3FFE];
	_ =	sdelay $0x1  }
0x8a: {  	s1 =	srdreg.scid  }
0x8b: {  	s0 =	sand.u32 $0x1, s1  }
0x8c: {  	s17 =	sshll.u32 s0, $0xA;
	s2 =	sadd.s32 s3, s2  }
0x8d: {  	s2 =	sadd.s32 s2, s17  }
0x8e: {  	[smem:$0x3FB9] =	sst s2  }
0x8f: {  	_ = 	snop  }
0x90: {  	(tm) =	ssettm $0x1  }
0x91: {  	s18 =	sld [smem:$0x3FFB];
	_ =	sdelay $0x3  }
0x92: {  	_ =	strace s18  }
0x93: {  	s2 =	sld [smem:$0x3FFC];
	_ =	sdelay $0x3  }
0x94: {  	_ =	strace s2  }
0x95: {  	s2 =	sld [smem:$0x3FFD];
	_ =	sdelay $0x3  }
0x96: {  	_ =	strace s2  }
0x97: {  	_ =	strace $0x8FFFFFFF  }
0x98: {  	s19 =	sld [smem:$0x3FDB];
	_ =	sdelay $0x1  }
0x99: {  	s20 =	simm.s32 $_scs_section_size  }
0x9a: {  	s4 =	simm.s32 $_size__tile_overlayer_lowered;
	s5 =	simm.s32 $_tile_overlayer_lowered  }
0x9b: {  	s6 =	simm.s32 $0x1BFF;
	s21 =	sshll.u32 s5, $0x1;
	s3 =	sadd.s32 s20, s19  }
0x9c: {  	s22 =	simm.s32 $0x0;
	s4 =	sshll.u32 s4, $0x1;
	s5 =	sadd.s32 s21, s3  }
0x9d: {  	[timem:s22], [sflag:s6] =	dma.local [hbm:s5], s4  }
0x9e: {  	_ =	swait.ge [sflag:s6], s4  }
0x9f: {  	s4 =	ssub.s32 $0x0, s4;
	[sflag:s6] =	ssyncset.done $0x0  }
0xa0: {  	[sflag:s6] =	ssyncadd.s32 s4;
	_ =	sdelay $0x1  }
0xa1: {  	s23 =	simm.s32 $0x1B8B  }
0xa2: {  	_ =	swait.ge [sflag:s23], $0x1  }
0xa3: {  	[sflag:s23] =	ssyncset.done $0x0  }
0xa4: {  	[sflag:s23] =	ssyncadd.s32 $0xFFFFFFFF  }
0xa5: {  	s4 =	sld [smem:$0x0]  }
0xa6: {  	s5 =	sand.u32 $0xFFFFFFFE, s1  }
0xa7: {  	p0 =	sne.s32 s1, s5  }
0xa8: {  	s5 =	sshll.u32 @p0 s5, $0xE  }
0xa9: {  	s5 =	sadd.s32 @p0 $0x11B8D, s5;
	s6 =	sshll.u32 @p0 s4, $0x11  }
0xaa: {  	s5 =	sor.u32 @p0 s6, s5  }
0xab: {  	[sflag:s5] =	ssyncadd.remote.s32 @p0 $0x1;
	_ =	sdelay $0x1  }
0xac: {  	s5 =	simm.s32 @p0 $0x1B8D  }
0xad: {  	_ =	swait.eq @p0 [sflag:s5], $0x1  }
0xae: {  	[sflag:s5] =	ssyncadd.s32 @p0 $0xFFFFFFFF  }
0xaf: {  	s6 =	sshll.u32 @!p0 s1, $0xE  }
0xb0: {  	s6 =	sor.u32 @!p0 $0x4000, s6;
	s5 =	simm.s32 @!p0 $0x1B8D  }
0xb1: {  	s4 =	sshll.u32 @!p0 s4, $0x11;
	s6 =	sadd.s32 @!p0 $0x11B8D, s6;
	_ =	swait.eq @!p0 [sflag:s5], $0x1  }
0xb2: {  	s4 =	sor.u32 @!p0 s4, s6;
	[sflag:s5] =	ssyncadd.s32 @!p0 $0xFFFFFFFF  }
0xb3: {  	s25 =	simm.s32 $0x1B8E;
	s24 =	sld [smem:$0x3FFE];
	[sflag:s4] =	ssyncadd.remote.s32 @!p0 $0x1  }
0xb4: {  	s26 =	simm.s32 $execute0_lowered;
	[smem:$0x3FD2] =	sst s25  }
0xb5: {  	s5 =	sshll.u32 s26, $0x1;
	_ =	strace $0x8000004C;
	[dreg:$0x1] =	wrdreg $0xFFFFFFFF  }
0xb6: {  	s28 =	simm.s32 $_size_execute0_lowered;
	s3 =	sadd.s32 s3, s5;
	[dreg:$0x0] =	wrdreg $0x0  }
0xb7: {  	s5 =	sshll.u32 s28, $0x1;
	[dreg:$0x2] =	wrdreg s3  }
0xb8: {  	[dreg:$0x3] =	wrdreg s5  }
0xb9: {  	[dreg:$0x4] =	wrdreg $0xC0  }
0xba: {  	_ =	task [dreg:s22], $0x5FFFF  }
0xbb: {  	[dreg:$0x1] =	wrdreg $0xFFFFFFFF  }
0xbc: {  	[dreg:$0x0] =	wrdreg $0x60  }
0xbd: {  	[dreg:$0x2] =	wrdreg s24  }
0xbe: {  	[dreg:$0x3] =	wrdreg $0x0  }
0xbf: {  	[dreg:$0x4] =	wrdreg $0xA  }
0xc0: {  	_ =	task.clear_ibuf [dreg:s22], $0x5FFFF;
	_ =	strace $0x9000004C  }
0xc1: {  	s29 =	simm.s32 $0xA;
	_ =	strace $0x8000004E  }
0xc2: {  	_ =	swait.ge [sflag:s29], $0x1  }
0xc3: {  	[sflag:s29] =	ssyncadd.s32 $0xFFFFFFFF  }
0xc4: {  	_ =	strace $0x9000004E  }
0xc5: {  	_ =	sfence  }
0xc6: {  	s30 =	sld [smem:$0x0];
	_ =	sdelay $0x2  }
0xc7: {  	s31 =	sshll.u32 s1, $0xD;
	s1 =	sshrl.u32 s1, $0x2  }
0xc8: {  	s4 =	sand.u32 $0x4000, s31;
	s1 =	sadd.s32 s1, s30  }
0xc9: {  	s0 =	sor.u32 s4, s0;
	s1 =	sshll.u32 s1, $0x11  }
0xca: {  	s0 =	sor.u32 s1, s0  }
0xcb: {  	s0 =	sadd.s32 $0x8F2B, s0  }
0xcc: {  	[sflag:s0] =	ssyncadd.remote.s32 $0x1  }
0xcd: {  	_ =	sfence.sel $0xFFFF  }
0xce: {  	[dreg:$0x0] =	wrdreg $0xFFFFFFFF;
	(pc) =	sbr.abs _section_cstart, $3  }
0xcf: {  	[dreg:$0x1] =	wrdreg $0xFFFFFFFF  }
0xd0: {  	_ =	task.clear_ibuf [dreg:s22], $0x2FFFF;
	_ =	strace $0x9FFFFFFF  }
0xd1: {  	(tm) =	ssettm $0x7FFFFFFF  }
tec
execute0_lowered:
.L_overlay_start_1:
0x0: {  	(tag) =	ssettag $0x1  }
0x1: {  	s0 =	rddreg [dreg:$0x0]  }
0x2: {  	s2 =	rddreg [dreg:$0x1]  }
0x3: {  	s1 =	stileid.u32;
	s4 =	srdreg.scid  }
0x4: {  	s3 =	simm.s32 $0x0;
	s28 =	simm.s32 $0x4;
	s29 =	simm.s32 $0x0  }
0x5: {  	s5 =	smul.u32 $0x2800, s1;
	s14 =	sand.u32 $0x1, s4;
	[smem:$0x7FF] =	sst s3  }
0x6: {  	s15 =	sadd.s32 $0x3D600, s0;
	s16 =	sadd.s32 $0x33800, s0;
	s9 =	smul.u32 $0x50000, s1  }
0x7: {  	s8 =	sshll.u32 s1, $0x1;
	s20 =	sshll.u32 s1, $0x6;
	s25 =	smul.u32 $0x4E20, s1  }
0x8: {  	s4 =	smul.u32 $0x28000, s14;
	s17 =	ssub.s32 $0x2, s14;
	s18 =	sor.u32 s14, s8  }
0x9: {  	_ =	strace $0x8000004D;
	s7 =	sshrl.u32 s17, $0x1;
	s10 =	smul.u32 $0x2710, s18  }
0xa: {  	s6 =	sadd.s32 s5, s0;
	s11 =	ssub.s32 s17, s7;
	s7 =	smul.u32 $0x27100, s18  }
0xb: {  	s19 =	sshrl.u32 s9, $0x2;
	s4 =	sadd.s32 s5, s4;
	s18 =	smul.u32 $0x2710, s14  }
0xc: {  	s17 =	sadd.s32 s19, s2;
	s21 =	sadd.s32 $0x529400, s6;
	s19 =	smul.u32 $0x4E200, s1  }
0xd: {  	s5 =	sor.u32 $0x1C05, s20;
	s14 =	smul.u32 $0x27100, s14;
	s20 =	simm.s32 $0x14100  }
0xe: {  	s0 =	sadd.s32 s4, s0;
	[dreg:$0x3] =	wrdreg s21;
	s22 =	sshrl.u32 s10, $0x3  }
0xf: {  	s23 =	sadd.s32 $0x50, s10;
	s13 =	sadd.s32 $0xA0, s10;
	s11 =	smax.u32 s11, $0x1  }
0x10: {  	s17 =	sshrl.u32 s17, $0x3;
	s21 =	simm.s32 $0x14080;
	s6 =	sadd.s32 s16, s22  }
0x11: {  	s24 =	sshrl.u32 s23, $0x3;
	s12 =	sshll.u32 s23, $0x4;
	s7 =	sadd.s32 s15, s7  }
0x12: {  	s10 =	sadd.s32 $0x551400, s0;
	s26 =	sshrl.u32 s13, $0x3;
	s13 =	sshll.u32 s13, $0x4  }
0x13: {  	s0 =	sadd.s32 s18, s25;
	s22 =	simm.s32 $0x16900;
	s23 =	simm.s32 $0x1  }
0x14: {  	s25 =	simm.s32 $0x2;
	s8 =	sadd.s32 s16, s24;
	s9 =	sadd.s32 s15, s12  }
0x15: {  	s12 =	sadd.s32 s16, s26;
	s13 =	sadd.s32 s15, s13;
	s15 =	sadd.s32 s19, s15  }
0x16: {  	s18 =	sadd.s32 $0x140, s0;
	s0 =	sadd.s32 $0xF0, s0;
	s19 =	simm.s32 $0x14000  }
0x17: {  	s24 =	simm.s32 $0x50;
	s26 =	simm.s32 $0x3;
	s14 =	sadd.s32 s14, s15  }
0x18: {  	s30 =	sshrl.u32 s18, $0x3;
	s31 =	sshrl.u32 s0, $0x3;
	s18 =	simm.s32 $0x5  }
0x19: {  	s0 =	sadd.s32 $0x1400, s14;
	s15 =	sadd.s32 s30, s16;
	s16 =	sadd.s32 s31, s16  }
.LBB2_1:
0x1a: {  	s1 =	rddreg [dreg:$0x3]  }
0x1b: {  	[spmem:s17], [sflag:s5] =	dma.local [hbm:s1], $0x2800  }
0x1c: {  	_ =	swait.ge [sflag:s18], $0x2800  }
0x1d: {  	[sflag:s18] =	ssyncset.done $0x0  }
0x1e: {  	[sflag:s18] =	ssyncadd.s32 $0xFFFFD800  }
0x1f: {  	[bflag:$0x0] =	sbarrier.arrive $0xFFFF  }
0x20: {  	[tilespmem:s19], [sflag:$0x1] =	stream.linear.gather [hbm4b:s6+s3], $0x50, $0x38;
	[tilespmem:$0x19100] =	vst v63  }
0x21: {  	_ = 	snop  }
0x22: {  	[tilespmem:s20], [sflag:$0x1] =	stream.linear.gather [hbm4b:s7+s3], $0x2800, $0x38;
	[tilespmem:$0x19100] =	vst v63  }
0x23: {  	_ = 	snop  }
0x24: {  	[tilespmem:s21], [sflag:$0x2] =	stream.linear.gather [hbm4b:s8+s3], $0x50, $0x38;
	[tilespmem:$0x19100] =	vst v63  }
0x25: {  	_ = 	snop  }
0x26: {  	[tilespmem:s22], [sflag:$0x2] =	stream.linear.gather [hbm4b:s9+s3], $0x2800, $0x38;
	[tilespmem:$0x19100] =	vst v63  }
0x27: {  	_ =	swait.ge [sflag:s23], $0x50  }
0x28: {  	[sflag:s23] =	ssyncset.done $0x0  }
0x29: {  	[sflag:s23] =	ssyncadd.s32 $0xFFFFFFB0  }
0x2a: {  	_ =	swait.ge [sflag:s23], $0x2800  }
0x2b: {  	[sflag:s23] =	ssyncset.done $0x0  }
0x2c: {  	[sflag:s23] =	ssyncadd.s32 $0xFFFFD800  }
0x2d: {  	[spmem:s2] =	stream.indirect.scatter.add.f32 [tilespmem:s20], [sflag:$0x3], $0x80, s19, s24, $0xb8;
	[tilespmem:$0x19100] =	vst v63  }
0x2e: {  	_ =	swait.ge [sflag:s25], $0x50  }
0x2f: {  	[sflag:s25] =	ssyncset.done $0x0  }
0x30: {  	[sflag:s25] =	ssyncadd.s32 $0xFFFFFFB0  }
0x31: {  	_ =	swait.ge [sflag:s25], $0x2800  }
0x32: {  	[sflag:s25] =	ssyncset.done $0x0  }
0x33: {  	[sflag:s25] =	ssyncadd.s32 $0xFFFFD800  }
0x34: {  	[spmem:s2] =	stream.indirect.scatter.add.f32 [tilespmem:s22], [sflag:$0x4], $0x80, s21, s24, $0xb8;
	[tilespmem:$0x19100] =	vst v63  }
0x35: {  	_ =	swait.ge [sflag:s26], $0x2800  }
0x36: {  	[sflag:s26] =	ssyncset.done $0x0  }
0x37: {  	[sflag:s26] =	ssyncadd.s32 $0xFFFFD800  }
0x38: {  	[tilespmem:s19], [sflag:$0x1] =	stream.linear.gather [hbm4b:s12+s3], $0x50, $0x38;
	[tilespmem:$0x19100] =	vst v63  }
0x39: {  	_ = 	snop  }
0x3a: {  	[tilespmem:s20], [sflag:$0x1] =	stream.linear.gather [hbm4b:s13+s3], $0x2800, $0x38;
	[tilespmem:$0x19100] =	vst v63  }
0x3b: {  	_ =	swait.ge [sflag:s23], $0x50  }
0x3c: {  	[sflag:s23] =	ssyncset.done $0x0  }
0x3d: {  	[sflag:s23] =	ssyncadd.s32 $0xFFFFFFB0  }
0x3e: {  	_ =	swait.ge [sflag:s23], $0x2800  }
0x3f: {  	[sflag:s23] =	ssyncset.done $0x0  }
0x40: {  	[sflag:s23] =	ssyncadd.s32 $0xFFFFD800  }
0x41: {  	[spmem:s2] =	stream.indirect.scatter.add.f32 [tilespmem:s20], [sflag:$0x3], $0x80, s19, s24, $0xb8;
	[tilespmem:$0x19100] =	vst v63  }
0x42: {  	_ =	swait.ge [sflag:s28], $0x2800  }
0x43: {  	[sflag:s28] =	ssyncset.done $0x0  }
0x44: {  	s14 =	sadd.s32 $0x0, s16;
	[sflag:s28] =	ssyncadd.s32 $0xFFFFD800  }
0x45: {  	[tilespmem:s21], [sflag:$0x2] =	stream.linear.gather [hbm4b:s14+s3], $0x50, $0x38;
	[tilespmem:$0x19100] =	vst v63  }
0x46: {  	s1 =	sadd.s32 $0xFFFFFB00, s0  }
0x47: {  	[tilespmem:s22], [sflag:$0x2] =	stream.linear.gather [hbm4b:s1+s3], $0x2800, $0x38;
	[tilespmem:$0x19100] =	vst v63  }
0x48: {  	_ =	swait.ge [sflag:s25], $0x50  }
0x49: {  	[sflag:s25] =	ssyncset.done $0x0  }
0x4a: {  	[sflag:s25] =	ssyncadd.s32 $0xFFFFFFB0  }
0x4b: {  	_ =	swait.ge [sflag:s25], $0x2800  }
0x4c: {  	[sflag:s25] =	ssyncset.done $0x0  }
0x4d: {  	[sflag:s25] =	ssyncadd.s32 $0xFFFFD800  }
0x4e: {  	[spmem:s2] =	stream.indirect.scatter.add.f32 [tilespmem:s22], [sflag:$0x4], $0x80, s21, s24, $0xb8;
	[tilespmem:$0x19100] =	vst v63  }
0x4f: {  	_ =	swait.ge [sflag:s26], $0x2800  }
0x50: {  	s4 =	sadd.s32 $0x0, s15;
	s30 =	simm.s32 $0x14;
	[sflag:s26] =	ssyncset.done $0x0  }
0x51: {  	s31 =	sadd.s32 $0xA00, s0;
	s14 =	smov.u32 s0;
	[sflag:s26] =	ssyncadd.s32 $0xFFFFD800  }
0x52: {  	[tilespmem:s19], [sflag:$0x1] =	stream.linear.gather [hbm4b:s4+s3], $0x50, $0x38;
	[tilespmem:$0x19100] =	vst v63  }
.LBB2_2:
0x53: {  	[tilespmem:s20], [sflag:$0x1] =	stream.linear.gather [hbm4b:s14+s3], $0x2800, $0x38;
	[tilespmem:$0x19100] =	vst v63  }
0x54: {  	s1 =	smov.u32 s30;
	s14 =	smov.u32 s31  }
0x55: {  	p0 =	sne.s32 s30, $0x4B0;
	s30 =	sadd.s32 $0x14, s30;
	_ =	swait.ge [sflag:s23], $0x50  }
0x56: {  	[sflag:s23] =	ssyncset.done $0x0  }
0x57: {  	[sflag:s23] =	ssyncadd.s32 $0xFFFFFFB0  }
0x58: {  	_ =	swait.ge [sflag:s23], $0x2800  }
0x59: {  	[sflag:s23] =	ssyncset.done $0x0  }
0x5a: {  	[sflag:s23] =	ssyncadd.s32 $0xFFFFD800  }
0x5b: {  	[spmem:s2] =	stream.indirect.scatter.add.f32 [tilespmem:s20], [sflag:$0x3], $0x80, s19, s24, $0xb8;
	[tilespmem:$0x19100] =	vst v63  }
0x5c: {  	_ =	swait.ge [sflag:s28], $0x2800  }
0x5d: {  	[sflag:s28] =	ssyncset.done $0x0  }
0x5e: {  	s4 =	sadd.s32 s1, s16;
	[sflag:s28] =	ssyncadd.s32 $0xFFFFD800  }
0x5f: {  	[tilespmem:s21], [sflag:$0x2] =	stream.linear.gather [hbm4b:s4+s3], $0x50, $0x38;
	[tilespmem:$0x19100] =	vst v63  }
0x60: {  	s4 =	sadd.s32 $0xFFFFFB00, s31  }
0x61: {  	[tilespmem:s22], [sflag:$0x2] =	stream.linear.gather [hbm4b:s4+s3], $0x2800, $0x38;
	[tilespmem:$0x19100] =	vst v63  }
0x62: {  	_ =	swait.ge [sflag:s25], $0x50  }
0x63: {  	[sflag:s25] =	ssyncset.done $0x0  }
0x64: {  	[sflag:s25] =	ssyncadd.s32 $0xFFFFFFB0  }
0x65: {  	_ =	swait.ge [sflag:s25], $0x2800  }
0x66: {  	[sflag:s25] =	ssyncset.done $0x0  }
0x67: {  	[sflag:s25] =	ssyncadd.s32 $0xFFFFD800  }
0x68: {  	[spmem:s2] =	stream.indirect.scatter.add.f32 [tilespmem:s22], [sflag:$0x4], $0x80, s21, s24, $0xb8;
	[tilespmem:$0x19100] =	vst v63  }
.Ltmp0:
0x69: {  	_ =	swait.ge [sflag:s26], $0x2800;
	(pc) =	sbr.rel @p0 .LBB2_2-.Ltmp0, $4  }
0x6a: {  	[sflag:s26] =	ssyncset.done $0x0  }
0x6b: {  	s1 =	sadd.s32 s1, s15;
	[sflag:s26] =	ssyncadd.s32 $0xFFFFD800  }
0x6c: {  	[tilespmem:s19], [sflag:$0x1] =	stream.linear.gather [hbm4b:s1+s3], $0x50, $0x38;
	[tilespmem:$0x19100] =	vst v63  }
0x6d: {  	s31 =	sadd.s32 $0xA00, s31  }
0x6e: {  	[tilespmem:s20], [sflag:$0x1] =	stream.linear.gather [hbm4b:s14+s3], $0x2800, $0x38;
	[tilespmem:$0x19100] =	vst v63  }
0x6f: {  	_ =	swait.ge [sflag:s23], $0x50  }
0x70: {  	[sflag:s23] =	ssyncset.done $0x0  }
0x71: {  	[sflag:s23] =	ssyncadd.s32 $0xFFFFFFB0  }
0x72: {  	_ =	swait.ge [sflag:s23], $0x2800  }
0x73: {  	[sflag:s23] =	ssyncset.done $0x0  }
0x74: {  	[sflag:s23] =	ssyncadd.s32 $0xFFFFD800  }
0x75: {  	[spmem:s2] =	stream.indirect.scatter.add.f32 [tilespmem:s20], [sflag:$0x3], $0x80, s19, s24, $0xb8;
	[tilespmem:$0x19100] =	vst v63  }
0x76: {  	_ =	swait.ge [sflag:s28], $0x2800  }
0x77: {  	[sflag:s28] =	ssyncset.done $0x0  }
0x78: {  	[sflag:s28] =	ssyncadd.s32 $0xFFFFD800  }
0x79: {  	_ =	swait.ge [sflag:s26], $0x2800  }
0x7a: {  	s29 =	sadd.s32 $0x1, s29;
	[sflag:s26] =	ssyncset.done $0x0  }
0x7b: {  	p0 =	sne.s32 s29, s11;
	[sflag:s26] =	ssyncadd.s32 $0xFFFFD800  }
.Ltmp1:
0x7c: {  	[bflag:$0x0] =	sbarrier.arrive $0xFFFF;
	(pc) =	sbr.rel @p0 .LBB2_1-.Ltmp1, $4  }
0x7d: {  	[hbm:s10], [sflag:s5] =	dma.local [spmem:s17], $0x2800  }
0x7e: {  	_ =	swait.ge [sflag:s18], $0x2800  }
0x7f: {  	[sflag:s18] =	ssyncset.done $0x0  }
0x80: {  	[sflag:s18] =	ssyncadd.s32 $0xFFFFD800  }
0x81: {  	_ =	sfence.sel $0x180000  }
0x82: {  	[bflag:$0x0] =	sbarrier.arrive $0xFFFF  }
0x83: {  	_ =	strace $0x9000004D  }
0x84: {  	s0 =	stileid.u32;
	[bflag:$0x2] =	sbarrier.arrive $0xFFFF  }
0x85: {  	p0 =	sne.s32 s0, $0x0;
	s0 =	rddreg [dreg:$0x2]  }
0x86: {  	s0 =	sadd.s32 @!p0 $0x100000, s0  }
0x87: {  	[sflag:s0] =	ssyncadd.tile.s32 @!p0 $0x1;
	_ =	shalt  }
.Lfunc_end2:
_tile_overlayer_lowered:
.L_overlay_start_2:
0x88: {  	(tag) =	ssettag $0x2  }
0x89: {  	s0 =	rddreg [dreg:$0x0];
	s2 =	stileid.u32  }
0x8a: {  	s1 =	rddreg [dreg:$0x1];
	p0 =	sne.s32 s2, $0x0  }
0x8b: {  	s3 =	rddreg [dreg:$0x2];
	[bflag:$0x3] =	sbarrier.arrive $0xFFFF;
	s2 =	simm.s32 @!p0 $0x1C05  }
0x8c: {  	[timem:s3], [sflag:s2] =	dma.local @!p0 [hbm:s0], s1  }
0x8d: {  	s0 =	simm.s32 @!p0 $0x5  }
0x8e: {  	_ =	swait.ge @!p0 [sflag:s0], s1  }
0x8f: {  	s1 =	ssub.s32 @!p0 $0x0, s1;
	[sflag:s0] =	ssyncset.done @!p0 $0x0  }
0x90: {  	[sflag:s0] =	ssyncadd.s32 @!p0 s1  }
0x91: {  	[bflag:$0x3] =	sbarrier.arrive $0xFFFF  }
0x92: {  	_ =	shalt  }

// kernel: kernel.9.cloned.1.call-start
scs
__scs_entry_jumppad:
0x0: {  	(pc) =	sbr.rel $0x88, $3  }
0x1: {  	(tag) =	ssettag $0x0;
	lr =	simm.s32 $0x1  }
0x2: {  	[smem:$0x3F92] =	sst lr;
	_ =	strace $0xD0000000  }
0x3: {  	_ = 	snop  }
0x4: {  	_ = 	snop  }
0x5: {  	_ = 	snop  }
0x6: {  	_ = 	snop  }
0x7: {  	_ = 	snop  }
__scs_overlays_trampoline_lowered:
0x8: {  	[smem:$0x3FA1] =	sst s0  }
0x9: {  	[smem:$0x3FA2] =	sst s1  }
0xa: {  	[smem:$0x3FA3] =	sst s2  }
0xb: {  	[smem:$0x3FA4] =	sst s3  }
0xc: {  	[smem:$0x3FA5] =	sst s4  }
0xd: {  	[smem:$0x3FA6] =	sst s5  }
0xe: {  	[smem:$0x3FA7] =	sst s6  }
0xf: {  	[smem:$0x3FA8] =	sst s7  }
0x10: {  	[smem:$0x3FA9] =	sst s8  }
0x11: {  	[smem:$0x3FAA] =	sst s9;
	s0 =	simm.s32 @!p0 $0x0  }
0x12: {  	s1 =	sld [smem:$0x3F90];
	s0 =	simm.s32 @p0 $0x1  }
0x13: {  	[smem:$0x3FAB] =	sst s0;
	s0 =	simm.s32 @!p1 $0x0  }
0x14: {  	s2 =	sld [smem:$0x3F8F];
	s0 =	simm.s32 @p1 $0x1  }
0x15: {  	[smem:$0x3FAC] =	sst s0;
	s0 =	simm.s32 @!p2 $0x0  }
0x16: {  	s3 =	sld [smem:$0x3FDB];
	s0 =	simm.s32 @p2 $0x1  }
0x17: {  	s4 =	simm.s32 $0x1BF5;
	[smem:$0x3FAE] =	sst s0  }
0x18: {  	s0 =	sld [smem:$0x3F91];
	_ =	swait.ge [sflag:s4], $0x0  }
0x19: {  	s7 =	sld [smem:$0x3F92]  }
0x1a: {  	s8 =	sadd.s32 $0xFFFFE003, lr  }
0x1b: {  	s9 =	sadd.s32 $0xFFFFFEF7, lr;
	s5 =	simm.s32 $0xFFFFFFFF;
	p2 =	slt.u32 s8, $0xFFFFF086  }
0x1c: {  	p1 =	slt.u32 s9, $0xF7A;
	s5 =	simm.s32 @!p2 $0x0  }
0x1d: {  	s5 =	simm.s32 @p1 $0x1;
	p0 =	seq.s32 s7, s2  }
0x1e: {  	s7 =	smul.u32 @!p0 $0xF7A, s2;
	p2 =	seq.s32 @!p0 s5, $0x0  }
0x1f: {  	s9 =	smul.u32 $0xF7A, s1;
	s8 =	simm.s32 @!p0 $0x1BF5;
	p2 =	por !p2, p0  }
0x20: {  	[sflag:s8] =	ssyncset.s32 @!p0 $0xFFFFF086;
	s6 =	sadd.s32 @!p0 s3, s7;
	s7 =	simm.s32 @!p0 $0x108  }
0x21: {  	s3 =	sadd.s32 s3, s9;
	s6 =	sadd.s32 @!p0 $0x88, s6;
	s7 =	simm.s32 @p2 $0x1082  }
0x22: {  	[simem:s7], [sflag:s8] =	dma.local @!p0 [hbm:s6], $0xF7A  }
0x23: {  	s9 =	sor.u32 $0xD0000000, s2;
	s6 =	simm.s32 $0x108;
	_ =	swait.ge @!p0 [sflag:s8], $0x0  }
0x24: {  	s3 =	sadd.s32 $0x88, s3;
	s6 =	simm.s32 @!p1 $0x1082;
	[sflag:s4] =	ssyncset.s32 $0xFFFFF086  }
0x25: {  	[simem:s6], [sflag:s4] =	dma.local [hbm:s3], $0xF7A  }
0x26: {  	[smem:$0x3F92] =	sst s1;
	(tag) =	ssettag s2;
	_ =	strace s9  }
0x27: {  	s1 =	sld [smem:$0x3FA2]  }
0x28: {  	s2 =	sld [smem:$0x3FA3]  }
0x29: {  	s4 =	sld [smem:$0x3FA5]  }
0x2a: {  	p0 =	seq.s32 s5, $0x0;
	s5 =	sld [smem:$0x3FA6]  }
0x2b: {  	s6 =	sld [smem:$0x3FA7]  }
0x2c: {  	s7 =	sld [smem:$0x3FA8]  }
0x2d: {  	s3 =	simm.s32 $0x108;
	s8 =	sld [smem:$0x3FA9]  }
0x2e: {  	s3 =	simm.s32 @!p0 $0x1082;
	s9 =	sld [smem:$0x3FAA]  }
0x2f: {  	lr =	sadd.s32 s0, s3;
	s0 =	sld [smem:$0x3FA1]  }
0x30: {  	s3 =	sld [smem:$0x3FA4]  }
0x31: {  	[smem:$0x3FAD] =	sst s10  }
0x32: {  	s10 =	sld [smem:$0x3FAB];
	_ =	sdelay $0x3  }
0x33: {  	p0 =	seq.s32 s10, $0x1;
	s10 =	sld [smem:$0x3FAD];
	_ =	sdelay $0x3  }
0x34: {  	[smem:$0x3FAD] =	sst s10  }
0x35: {  	s10 =	sld [smem:$0x3FAC];
	_ =	sdelay $0x3  }
0x36: {  	p1 =	seq.s32 s10, $0x1;
	s10 =	sld [smem:$0x3FAD];
	_ =	sdelay $0x3  }
0x37: {  	[smem:$0x3FAD] =	sst s10  }
0x38: {  	s10 =	sld [smem:$0x3FAE]  }
0x39: {  	_ = 	snop;
	(pc) =	sbr.ind lr, $3  }
0x3a: {  	_ = 	snop  }
0x3b: {  	_ = 	snop  }
0x3c: {  	p2 =	seq.s32 s10, $0x1;
	s10 =	sld [smem:$0x3FAD]  }
0x3d: {  	_ =	shalt  }
0x3e: {  	_ =	shalt  }
0x3f: {  	_ =	shalt  }
0x40: {  	_ =	shalt  }
0x41: {  	_ =	shalt  }
0x42: {  	_ =	shalt  }
0x43: {  	_ =	shalt  }
0x44: {  	_ =	shalt  }
0x45: {  	_ =	shalt  }
0x46: {  	_ =	shalt  }
0x47: {  	_ =	shalt  }
0x48: {  	_ =	shalt  }
0x49: {  	_ =	shalt  }
0x4a: {  	_ =	shalt  }
0x4b: {  	_ =	shalt  }
0x4c: {  	_ =	shalt  }
0x4d: {  	_ =	shalt  }
0x4e: {  	_ =	shalt  }
0x4f: {  	_ =	shalt  }
0x50: {  	_ =	shalt  }
0x51: {  	_ =	shalt  }
0x52: {  	_ =	shalt  }
0x53: {  	_ =	shalt  }
0x54: {  	_ =	shalt  }
0x55: {  	_ =	shalt  }
0x56: {  	_ =	shalt  }
0x57: {  	_ =	shalt  }
0x58: {  	_ =	shalt  }
0x59: {  	_ =	shalt  }
0x5a: {  	_ =	shalt  }
0x5b: {  	_ =	shalt  }
0x5c: {  	_ =	shalt  }
0x5d: {  	_ =	shalt  }
0x5e: {  	_ =	shalt  }
0x5f: {  	_ =	shalt  }
0x60: {  	_ =	shalt  }
0x61: {  	_ =	shalt  }
0x62: {  	_ =	shalt  }
0x63: {  	_ =	shalt  }
0x64: {  	_ =	shalt  }
0x65: {  	_ =	shalt  }
0x66: {  	_ =	shalt  }
0x67: {  	_ =	shalt  }
0x68: {  	_ =	shalt  }
0x69: {  	_ =	shalt  }
0x6a: {  	_ =	shalt  }
0x6b: {  	_ =	shalt  }
0x6c: {  	_ =	shalt  }
0x6d: {  	_ =	shalt  }
0x6e: {  	_ =	shalt  }
0x6f: {  	_ =	shalt  }
0x70: {  	_ =	shalt  }
0x71: {  	_ =	shalt  }
0x72: {  	_ =	shalt  }
0x73: {  	_ =	shalt  }
0x74: {  	_ =	shalt  }
0x75: {  	_ =	shalt  }
0x76: {  	_ =	shalt  }
0x77: {  	_ =	shalt  }
0x78: {  	_ =	shalt  }
0x79: {  	_ =	shalt  }
0x7a: {  	_ =	shalt  }
0x7b: {  	_ =	shalt  }
0x7c: {  	_ =	shalt  }
0x7d: {  	_ =	shalt  }
0x7e: {  	_ =	shalt  }
0x7f: {  	_ =	shalt  }
0x80: {  	_ =	shalt  }
0x81: {  	_ =	shalt  }
0x82: {  	_ =	shalt  }
0x83: {  	_ =	shalt  }
0x84: {  	_ =	shalt  }
0x85: {  	_ =	shalt  }
0x86: {  	_ =	shalt  }
0x87: {  	_ =	shalt  }
.Lfunc_end0:
.L_simem_size_0:
called_computation_lowered:
.L_overlay_start_0:
0x88: {  	s2 =	sld [smem:$0x3FD9]  }
0x89: {  	s3 =	sld [smem:$0x3FFE];
	_ =	sdelay $0x1  }
0x8a: {  	s1 =	srdreg.scid  }
0x8b: {  	s0 =	sand.u32 $0x1, s1  }
0x8c: {  	s17 =	sshll.u32 s0, $0xA;
	s2 =	sadd.s32 s3, s2  }
0x8d: {  	s2 =	sadd.s32 s2, s17  }
0x8e: {  	[smem:$0x3FB9] =	sst s2  }
0x8f: {  	_ = 	snop  }
0x90: {  	(tm) =	ssettm $0x1  }
0x91: {  	s18 =	sld [smem:$0x3FFB];
	_ =	sdelay $0x3  }
0x92: {  	_ =	strace s18  }
0x93: {  	s2 =	sld [smem:$0x3FFC];
	_ =	sdelay $0x3  }
0x94: {  	_ =	strace s2  }
0x95: {  	s2 =	sld [smem:$0x3FFD];
	_ =	sdelay $0x3  }
0x96: {  	_ =	strace s2  }
0x97: {  	_ =	strace $0x8FFFFFFF  }
0x98: {  	s19 =	sld [smem:$0x3FDB];
	_ =	sdelay $0x1  }
0x99: {  	s20 =	simm.s32 $_scs_section_size  }
0x9a: {  	s4 =	simm.s32 $_size__tile_overlayer_lowered;
	s5 =	simm.s32 $_tile_overlayer_lowered  }
0x9b: {  	s6 =	simm.s32 $0x1BFF;
	s21 =	sshll.u32 s5, $0x1;
	s3 =	sadd.s32 s20, s19  }
0x9c: {  	s22 =	simm.s32 $0x0;
	s4 =	sshll.u32 s4, $0x1;
	s5 =	sadd.s32 s21, s3  }
0x9d: {  	[timem:s22], [sflag:s6] =	dma.local [hbm:s5], s4  }
0x9e: {  	_ =	swait.ge [sflag:s6], s4  }
0x9f: {  	s4 =	ssub.s32 $0x0, s4;
	[sflag:s6] =	ssyncset.done $0x0  }
0xa0: {  	[sflag:s6] =	ssyncadd.s32 s4;
	_ =	sdelay $0x1  }
0xa1: {  	s23 =	simm.s32 $0x1B8B  }
0xa2: {  	_ =	swait.ge [sflag:s23], $0x1  }
0xa3: {  	[sflag:s23] =	ssyncset.done $0x0  }
0xa4: {  	[sflag:s23] =	ssyncadd.s32 $0xFFFFFFFF  }
0xa5: {  	s4 =	sld [smem:$0x0]  }
0xa6: {  	s5 =	sand.u32 $0xFFFFFFFE, s1  }
0xa7: {  	p0 =	sne.s32 s1, s5  }
0xa8: {  	s5 =	sshll.u32 @p0 s5, $0xE  }
0xa9: {  	s5 =	sadd.s32 @p0 $0x11B8D, s5;
	s6 =	sshll.u32 @p0 s4, $0x11  }
0xaa: {  	s5 =	sor.u32 @p0 s6, s5  }
0xab: {  	[sflag:s5] =	ssyncadd.remote.s32 @p0 $0x1;
	_ =	sdelay $0x1  }
0xac: {  	s5 =	simm.s32 @p0 $0x1B8D  }
0xad: {  	_ =	swait.eq @p0 [sflag:s5], $0x1  }
0xae: {  	[sflag:s5] =	ssyncadd.s32 @p0 $0xFFFFFFFF  }
0xaf: {  	s6 =	sshll.u32 @!p0 s1, $0xE  }
0xb0: {  	s6 =	sor.u32 @!p0 $0x4000, s6;
	s5 =	simm.s32 @!p0 $0x1B8D  }
0xb1: {  	s4 =	sshll.u32 @!p0 s4, $0x11;
	s6 =	sadd.s32 @!p0 $0x11B8D, s6;
	_ =	swait.eq @!p0 [sflag:s5], $0x1  }
0xb2: {  	s4 =	sor.u32 @!p0 s4, s6;
	[sflag:s5] =	ssyncadd.s32 @!p0 $0xFFFFFFFF  }
0xb3: {  	s25 =	simm.s32 $0x1B8E;
	s24 =	sld [smem:$0x3FFE];
	[sflag:s4] =	ssyncadd.remote.s32 @!p0 $0x1  }
0xb4: {  	s26 =	simm.s32 $execute0_lowered;
	[smem:$0x3FD2] =	sst s25  }
0xb5: {  	s5 =	sshll.u32 s26, $0x1;
	_ =	strace $0x80000049;
	[dreg:$0x1] =	wrdreg $0xFFFFFFFF  }
0xb6: {  	s28 =	simm.s32 $_size_execute0_lowered;
	s3 =	sadd.s32 s3, s5;
	[dreg:$0x0] =	wrdreg $0x0  }
0xb7: {  	s5 =	sshll.u32 s28, $0x1;
	[dreg:$0x2] =	wrdreg s3  }
0xb8: {  	[dreg:$0x3] =	wrdreg s5  }
0xb9: {  	[dreg:$0x4] =	wrdreg $0xC0  }
0xba: {  	_ =	task [dreg:s22], $0x5FFFF  }
0xbb: {  	[dreg:$0x1] =	wrdreg $0xFFFFFFFF  }
0xbc: {  	[dreg:$0x0] =	wrdreg $0x60  }
0xbd: {  	[dreg:$0x2] =	wrdreg s24  }
0xbe: {  	[dreg:$0x3] =	wrdreg $0x9  }
0xbf: {  	_ =	task.clear_ibuf [dreg:s22], $0x4FFFF;
	_ =	strace $0x90000049  }
0xc0: {  	s29 =	simm.s32 $0x9;
	_ =	strace $0x8000004B  }
0xc1: {  	_ =	swait.ge [sflag:s29], $0x1  }
0xc2: {  	[sflag:s29] =	ssyncadd.s32 $0xFFFFFFFF  }
0xc3: {  	_ =	strace $0x9000004B  }
0xc4: {  	_ =	sfence  }
0xc5: {  	s30 =	sld [smem:$0x0];
	_ =	sdelay $0x2  }
0xc6: {  	s31 =	sshll.u32 s1, $0xD;
	s1 =	sshrl.u32 s1, $0x2  }
0xc7: {  	s4 =	sand.u32 $0x4000, s31;
	s1 =	sadd.s32 s1, s30  }
0xc8: {  	s0 =	sor.u32 s4, s0;
	s1 =	sshll.u32 s1, $0x11  }
0xc9: {  	s0 =	sor.u32 s1, s0  }
0xca: {  	s0 =	sadd.s32 $0x8F2B, s0  }
0xcb: {  	[sflag:s0] =	ssyncadd.remote.s32 $0x1  }
0xcc: {  	_ =	sfence.sel $0xFFFF  }
0xcd: {  	[dreg:$0x0] =	wrdreg $0xFFFFFFFF;
	(pc) =	sbr.abs _section_cstart, $3  }
0xce: {  	[dreg:$0x1] =	wrdreg $0xFFFFFFFF  }
0xcf: {  	_ =	task.clear_ibuf [dreg:s22], $0x2FFFF;
	_ =	strace $0x9FFFFFFF  }
0xd0: {  	(tm) =	ssettm $0x7FFFFFFF  }
0xd1: {  	_ =	shalt  }
tec
execute0_lowered:
.L_overlay_start_1:
0x0: {  	(tag) =	ssettag $0x1  }
0x1: {  	s1 =	srdreg.scid;
	s0 =	stileid.u32  }
0x2: {  	s3 =	sand.u32 $0x1, s1;
	s30 =	sshll.u32 s0, $0x1  }
0x3: {  	s1 =	sor.u32 s3, s30  }
0x4: {  	s4 =	rddreg [dreg:$0x0];
	s2 =	simm.s32 $0x0;
	s5 =	smul.u32 $0x2710, s1  }
0x5: {  	s10 =	simm.s32 $0x1;
	s11 =	simm.s32 $0x800;
	s12 =	simm.s32 $0x0  }
0x6: {  	[smem:$0x7FF] =	sst s2;
	s3 =	ssub.s32 $0x2, s3;
	s5 =	sshrl.u32 s5, $0x3  }
0x7: {  	s1 =	rddreg [dreg:$0x1];
	s31 =	sshrl.u32 s3, $0x1;
	s9 =	sadd.s32 s5, s4  }
0x8: {  	_ =	strace $0x8000004A;
	s4 =	ssub.s32 s3, s31;
	s3 =	sadd.s32 $0x51F600, s9  }
0x9: {  	s4 =	smax.u32 s4, $0x1;
	s5 =	sadd.s32 $0x33800, s9;
	s6 =	sadd.s32 $0x338FA, s9  }
0xa: {  	v0 =	vimm.f32 $0.0e+00;
	v1 =	vimm.f32 $1.000000000e+00;
	s7 =	sadd.s32 $0x339F4, s9;
	s8 =	sadd.s32 $0x33AEE, s9;
	s9 =	sadd.s32 $0x33BE8, s9  }
.LBB2_1:
0xb: {  	s13 =	simm.s32 $0x40;
	s14 =	simm.s32 $0x0  }
.LBB2_2:
0xc: {  	p0 =	sne.s32 s13, $0x9C00;
	[tilespmem:s14+$0x800] =	vst v0;
	s14 =	smov.u32 s13;
	s13 =	sadd.s32 $0x40, s13  }
.Ltmp0:
0xd: {  	(pc) =	sbr.rel @p0 .LBB2_2-.Ltmp0, $2  }
0xe: {  	_ =	sdelay $0x2  }
0xf: {  	s14 =	sshra.s32 s14, $0x2  }
0x10: {  	[tilespmem:s14+$0x800] =	vst v0;
	s13 =	simm.s32 $0x0  }
0x11: {  	[tilespmem:s13], [sflag:$0x1] =	stream.linear.gather [hbm4b:s5+s13], $0x7D0, $0x38;
	[tilespmem:$0x2F80] =	vst v63  }
0x12: {  	_ =	swait.ge [sflag:s10], $0x7D0  }
0x13: {  	[sflag:s10] =	ssyncset.done $0x0  }
0x14: {  	s14 =	simm.s32 $0x0;
	s13 =	simm.s32 $0x40;
	[sflag:s10] =	ssyncadd.s32 $0xFFFFF830  }
.LBB2_4:
0x15: {  	p0 =	sne.s32 s13, $0x1F00;
	v2 =	vld [tilespmem:s14+$0x0];
	_ =	sdelay $0x3  }
.Ltmp1:
0x16: {  	(pc) =	sbr.rel @p0 .LBB2_4-.Ltmp1, $2  }
0x17: {  	_ =	sdelay $0x2  }
0x18: {  	s14 =	sshra.s32 s13, $0x2;
	s13 =	sadd.s32 $0x40, s13;
	[tilespmem:v2+s11+$0x0] =	vst.idx.add.f32.msk $0xffff, v1  }
0x19: {  	v2 =	vld [tilespmem:s14+$0x0];
	_ =	sdelay $0x7  }
0x1a: {  	s13 =	simm.s32 $0x0;
	[tilespmem:v2+s11+$0x0] =	vst.idx.add.f32.msk $0xffff, v1  }
0x1b: {  	[tilespmem:s13], [sflag:$0x1] =	stream.linear.gather [hbm4b:s6+s13], $0x7D0, $0x38;
	[tilespmem:$0x2F80] =	vst v63  }
0x1c: {  	_ =	swait.ge [sflag:s10], $0x7D0  }
0x1d: {  	[sflag:s10] =	ssyncset.done $0x0  }
0x1e: {  	s14 =	simm.s32 $0x0;
	s13 =	simm.s32 $0x40;
	[sflag:s10] =	ssyncadd.s32 $0xFFFFF830  }
.LBB2_6:
0x1f: {  	p0 =	sne.s32 s13, $0x1F00;
	v2 =	vld [tilespmem:s14+$0x0];
	_ =	sdelay $0x3  }
.Ltmp2:
0x20: {  	(pc) =	sbr.rel @p0 .LBB2_6-.Ltmp2, $2  }
0x21: {  	_ =	sdelay $0x2  }
0x22: {  	s14 =	sshra.s32 s13, $0x2;
	s13 =	sadd.s32 $0x40, s13;
	[tilespmem:v2+s11+$0x0] =	vst.idx.add.f32.msk $0xffff, v1  }
0x23: {  	v2 =	vld [tilespmem:s14+$0x0];
	_ =	sdelay $0x7  }
0x24: {  	s13 =	simm.s32 $0x0;
	[tilespmem:v2+s11+$0x0] =	vst.idx.add.f32.msk $0xffff, v1  }
0x25: {  	[tilespmem:s13], [sflag:$0x1] =	stream.linear.gather [hbm4b:s7+s13], $0x7D0, $0x38;
	[tilespmem:$0x2F80] =	vst v63  }
0x26: {  	_ =	swait.ge [sflag:s10], $0x7D0  }
0x27: {  	[sflag:s10] =	ssyncset.done $0x0  }
0x28: {  	s14 =	simm.s32 $0x0;
	s13 =	simm.s32 $0x40;
	[sflag:s10] =	ssyncadd.s32 $0xFFFFF830  }
.LBB2_8:
0x29: {  	p0 =	sne.s32 s13, $0x1F00;
	v2 =	vld [tilespmem:s14+$0x0];
	_ =	sdelay $0x3  }
.Ltmp3:
0x2a: {  	(pc) =	sbr.rel @p0 .LBB2_8-.Ltmp3, $2  }
0x2b: {  	_ =	sdelay $0x2  }
0x2c: {  	s14 =	sshra.s32 s13, $0x2;
	s13 =	sadd.s32 $0x40, s13;
	[tilespmem:v2+s11+$0x0] =	vst.idx.add.f32.msk $0xffff, v1  }
0x2d: {  	v2 =	vld [tilespmem:s14+$0x0];
	_ =	sdelay $0x7  }
0x2e: {  	s13 =	simm.s32 $0x0;
	[tilespmem:v2+s11+$0x0] =	vst.idx.add.f32.msk $0xffff, v1  }
0x2f: {  	[tilespmem:s13], [sflag:$0x1] =	stream.linear.gather [hbm4b:s8+s13], $0x7D0, $0x38;
	[tilespmem:$0x2F80] =	vst v63  }
0x30: {  	_ =	swait.ge [sflag:s10], $0x7D0  }
0x31: {  	[sflag:s10] =	ssyncset.done $0x0  }
0x32: {  	s14 =	simm.s32 $0x0;
	s13 =	simm.s32 $0x40;
	[sflag:s10] =	ssyncadd.s32 $0xFFFFF830  }
.LBB2_10:
0x33: {  	p0 =	sne.s32 s13, $0x1F00;
	v2 =	vld [tilespmem:s14+$0x0];
	_ =	sdelay $0x3  }
.Ltmp4:
0x34: {  	(pc) =	sbr.rel @p0 .LBB2_10-.Ltmp4, $2  }
0x35: {  	_ =	sdelay $0x2  }
0x36: {  	s14 =	sshra.s32 s13, $0x2;
	s13 =	sadd.s32 $0x40, s13;
	[tilespmem:v2+s11+$0x0] =	vst.idx.add.f32.msk $0xffff, v1  }
0x37: {  	v2 =	vld [tilespmem:s14+$0x0];
	_ =	sdelay $0x7  }
0x38: {  	s13 =	simm.s32 $0x0;
	[tilespmem:v2+s11+$0x0] =	vst.idx.add.f32.msk $0xffff, v1  }
0x39: {  	[tilespmem:s13], [sflag:$0x1] =	stream.linear.gather [hbm4b:s9+s13], $0x7D0, $0x38;
	[tilespmem:$0x2F80] =	vst v63  }
0x3a: {  	_ =	swait.ge [sflag:s10], $0x7D0  }
0x3b: {  	[sflag:s10] =	ssyncset.done $0x0  }
0x3c: {  	s14 =	simm.s32 $0x0;
	s13 =	simm.s32 $0x40;
	[sflag:s10] =	ssyncadd.s32 $0xFFFFF830  }
.LBB2_12:
0x3d: {  	p0 =	sne.s32 s13, $0x1F00;
	v2 =	vld [tilespmem:s14+$0x0];
	_ =	sdelay $0x3  }
.Ltmp5:
0x3e: {  	(pc) =	sbr.rel @p0 .LBB2_12-.Ltmp5, $2  }
0x3f: {  	_ =	sdelay $0x2  }
0x40: {  	s14 =	sshra.s32 s13, $0x2;
	s13 =	sadd.s32 $0x40, s13;
	[tilespmem:v2+s11+$0x0] =	vst.idx.add.f32.msk $0xffff, v1  }
0x41: {  	v2 =	vld [tilespmem:s14+$0x0];
	_ =	sdelay $0x5  }
0x42: {  	s12 =	sadd.s32 $0x1, s12  }
0x43: {  	p0 =	sne.s32 s12, s4  }
.Ltmp6:
0x44: {  	[tilespmem:v2+s11+$0x0] =	vst.idx.add.f32.msk $0xffff, v1;
	(pc) =	sbr.rel @p0 .LBB2_1-.Ltmp6, $4  }
0x45: {  	[hbm4b:s3+s2] =	stream.linear.scatter [tilespmem:s11], [sflag:$0x1], $0x2710, $0x38;
	[tilespmem:$0x2F80] =	vst v63  }
0x46: {  	_ =	swait.ge [sflag:s10], $0x2710  }
0x47: {  	[sflag:s10] =	ssyncset.done $0x0  }
0x48: {  	[sflag:s10] =	ssyncadd.s32 $0xFFFFD8F0  }
0x49: {  	_ =	sfence.sel $0x180000  }
0x4a: {  	[bflag:$0x0] =	sbarrier.arrive $0xFFFF  }
0x4b: {  	p0 =	sne.s32 s0, $0x0;
	_ =	strace $0x9000004A  }
0x4c: {  	s0 =	sadd.s32 @!p0 $0x100000, s1;
	[bflag:$0x2] =	sbarrier.arrive $0xFFFF  }
0x4d: {  	[sflag:s0] =	ssyncadd.tile.s32 @!p0 $0x1;
	_ =	shalt  }
.Lfunc_end2:
_tile_overlayer_lowered:
.L_overlay_start_2:
0x4e: {  	(tag) =	ssettag $0x2  }
0x4f: {  	s0 =	rddreg [dreg:$0x0];
	s2 =	stileid.u32  }
0x50: {  	s1 =	rddreg [dreg:$0x1];
	p0 =	sne.s32 s2, $0x0  }
0x51: {  	s3 =	rddreg [dreg:$0x2];
	[bflag:$0x3] =	sbarrier.arrive $0xFFFF;
	s2 =	simm.s32 @!p0 $0x1C01  }
0x52: {  	[timem:s3], [sflag:s2] =	dma.local @!p0 [hbm:s0], s1  }
0x53: {  	s0 =	simm.s32 @!p0 $0x1  }
0x54: {  	_ =	swait.ge @!p0 [sflag:s0], s1  }
0x55: {  	s1 =	ssub.s32 @!p0 $0x0, s1;
	[sflag:s0] =	ssyncset.done @!p0 $0x0  }
0x56: {  	[sflag:s0] =	ssyncadd.s32 @!p0 s1  }
0x57: {  	[bflag:$0x3] =	sbarrier.arrive $0xFFFF  }
0x58: {  	_ =	shalt  }

</sc_bundles>
